<compile_context>
chip_gen: v7x
topology: tpu7x:2x2x1
jax: 0.10.2.dev20260603
libtpu: 0.0.44.dev20260713+nightly
codegen_flags: <defaults>
</compile_context>

<pallas_src>
import functools

import jax
import jax.numpy as jnp
from jax import lax
from jax.experimental import pallas as pl
from jax.experimental.pallas import tpu as pltpu
from jax.experimental.pallas import tpu_sc as plsc

_C = 1000
_B = 1024
_ROWS = 40
_NTASK = (50 * _C) // _ROWS
_NW = 32
_KPW = 20


def _scatter_row(chunk, row, c0, value):
    lane = lax.iota(jnp.int32, 16)
    vals = jnp.full((16,), value, jnp.float32)

    def body(g, _):
        tv = row[pl.ds(g * 16, 16)]
        rel = tv - c0
        mask = (rel >= 0) & (rel < _ROWS)
        idx_b = g * 16 + lane
        plsc.store_scatter(chunk, [rel, idx_b], vals, mask=mask)
        return 0

    lax.fori_loop(0, _B // 16, body, 0, unroll=4)


def _task_ids(w, kk, b):
    task = jnp.minimum(w + (kk * 2 + b) * _NW, _NTASK - 1)
    s = task // (_C // _ROWS)
    c0 = (task % (_C // _ROWS)) * _ROWS
    return s, c0


def _sc_onehot(tt_hbm, out_hbm, chunks, row, sems):
    w = lax.axis_index("s") * 2 + lax.axis_index("c")

    zeros16 = jnp.zeros((16,), jnp.float32)

    def zbody(i, _):
        c = i // (_B // 16)
        g = i % (_B // 16)
        chunks[0, c, pl.ds(g * 16, 16)] = zeros16
        chunks[1, c, pl.ds(g * 16, 16)] = zeros16
        return 0

    lax.fori_loop(0, _ROWS * (_B // 16), zbody, 0, unroll=8)

    def pair(kk, _):
        for b in (0, 1):
            chunk = chunks.at[b]
            s, c0 = _task_ids(w, kk, b)

            @pl.when(kk > 0)
            def _reclaim():
                pltpu.make_async_copy(
                    chunk, out_hbm.at[0, pl.ds(0, _ROWS)], sems.at[b]
                ).wait()
                ps, pc0 = _task_ids(w, kk - 1, b)
                pltpu.sync_copy(tt_hbm.at[ps], row)
                _scatter_row(chunk, row, pc0, 0.0)

            pltpu.sync_copy(tt_hbm.at[s], row)
            _scatter_row(chunk, row, c0, 1.0)
            pltpu.make_async_copy(
                chunk, out_hbm.at[s, pl.ds(c0, _ROWS)], sems.at[b]
            ).start()
        return 0

    lax.fori_loop(0, _KPW, pair, 0)

    for b in (0, 1):
        pltpu.make_async_copy(
            chunks.at[b], out_hbm.at[0, pl.ds(0, _ROWS)], sems.at[b]
        ).wait()


def kernel(t) -> jnp.ndarray:
    B, S = t.shape
    tt = t.astype(jnp.int32).T
    mesh = plsc.VectorSubcoreMesh(core_axis_name="c", subcore_axis_name="s")
    run = functools.partial(
        pl.kernel,
        mesh=mesh,
        compiler_params=pltpu.CompilerParams(needs_layout_passes=False),
        out_type=jax.ShapeDtypeStruct((S, _C, B), jnp.float32),
        scratch_types=[
            pltpu.VMEM((2, _ROWS, B), jnp.float32),
            pltpu.VMEM((B,), jnp.int32),
            pltpu.SemaphoreType.DMA((2,)),
        ],
    )(_sc_onehot)
    out_t = run(tt)
    return jnp.transpose(out_t, (2, 1, 0))

# --- scband reference (transcript-rebuilt; emitter-appended) ---
"""Pipeline reference for scband-one-hot-encoder-71811853189373 (READ-ONLY COPY).

The authoritative reference and input builder live on the scoring server;
editing this copy changes nothing except your own understanding.
"""

import jax, jax.numpy as jnp
import numpy as np

N_CLASSES = 1000

def setup_inputs(seed: int = 0) -> dict:
    key = jax.random.key(seed)
    t = jax.random.randint(key, (1024, 50), 0, N_CLASSES, dtype=jnp.int32)
    return {"t": t}

def reference(t) -> jnp.ndarray:
    # Faithful translation of OneHotEncoder.forward
    n_dim = t.ndim
    flat = t.astype(jnp.int32).reshape(-1)
    # torch: eye(n_classes).type_as(t) -> integer eye; index_select rows by flat indices
    eye = jnp.eye(N_CLASSES, dtype=flat.dtype)
    out = jnp.take(eye, flat, axis=0).reshape(t.shape + (N_CLASSES,))
    # permute(0, -1, 1..n_dim-1), then cast to float
    perm = (0, n_dim) + tuple(range(1, n_dim))
    out = jnp.transpose(out, perm).astype(jnp.float32)
    return out

if __name__ == "__main__":
    import jax
    _d = setup_inputs()
    print(jax.jit(kernel)(*tuple(_d.values())))

</pallas_src>

<mosaic_0001>
#map = affine_map<(d0, d1) -> (0, 0)>
#map1 = affine_map<(d0, d1) -> (0, 0, 0)>
module attributes {stable_mosaic.version = 14 : i64} {
  func.func @_sc_onehot(%arg0: i32, %arg1: i32, %arg2: memref<50x1024xi32, #tpu.memory_space<hbm>>, %arg3: memref<50x1000x1024xf32, #tpu.memory_space<hbm>>, %arg4: memref<2x40x1024xf32, #tpu.memory_space<vmem>>, %arg5: memref<1024xi32, #tpu.memory_space<vmem>>, %arg6: memref<2x!tpu.dma_semaphore, #tpu.memory_space<semaphore_mem>>) attributes {dimension_semantics = [#tpu.dimension_semantics<core_parallel>, #tpu.dimension_semantics<subcore_parallel>], iteration_bounds = array<i64: 2, 16>, scalar_prefetch = 0 : i64, scratch_operands = 3 : i64, tpu.core_type = #tpu.core_type<sc_vector_subcore>, window_params = [{transform_indices = #map}, {transform_indices = #map1}]} {
    %mul3A = arith.constant 2 : i32
    %mul3A_0 = arith.muli %arg1, %mul3A : i32
    %add3A = arith.addi %mul3A_0, %arg0 : i32
    %broadcast_in_dim3A = arith.constant 0.000000e+00 : f32
    %broadcast_in_dim3A_1 = vector.broadcast %broadcast_in_dim3A : f32 to vector<16xf32>
    %scan3A = arith.constant 0 : i32
    %scan3A_2 = arith.constant 0 : i32
    %scan3A_3 = arith.constant 2560 : i32
    %scan3A_4 = arith.addi %scan3A_2, %scan3A_3 : i32
    %scan3A_5 = arith.constant 8 : i32
    %scan3A_6 = scf.for %scan3A_56 = %scan3A_2 to %scan3A_4 step %scan3A_5 iter_args(%scan3A_57 = %scan3A) -> (i32)  : i32 {
      %jit3A = arith.constant 64 : i32
      %div3A = arith.divsi %scan3A_56, %jit3A : i32
      %sign3A = arith.constant 0 : i32
      %sign3A_58 = arith.cmpi sgt, %scan3A_56, %sign3A : i32
      %sign3A_59 = arith.extui %sign3A_58 : i1 to i32
      %sign3A_60 = arith.constant 0 : i32
      %sign3A_61 = arith.cmpi slt, %scan3A_56, %sign3A_60 : i32
      %sign3A_62 = arith.extui %sign3A_61 : i1 to i32
      %sign3A_63 = arith.subi %sign3A_59, %sign3A_62 : i32
      %sign3A_64 = arith.constant 0 : i32
      %sign3A_65 = arith.cmpi sgt, %jit3A, %sign3A_64 : i32
      %sign3A_66 = arith.extui %sign3A_65 : i1 to i32
      %sign3A_67 = arith.constant 0 : i32
      %sign3A_68 = arith.cmpi slt, %jit3A, %sign3A_67 : i32
      %sign3A_69 = arith.extui %sign3A_68 : i1 to i32
      %sign3A_70 = arith.subi %sign3A_66, %sign3A_69 : i32
      %ne3A = arith.cmpi ne, %sign3A_63, %sign3A_70 : i32
      %rem3A = arith.remsi %scan3A_56, %jit3A : i32
      %ne3A_71 = arith.constant 0 : i32
      %ne3A_72 = arith.cmpi ne, %rem3A, %ne3A_71 : i32
      %and3A = arith.andi %ne3A, %ne3A_72 : i1
      %sub3A = arith.constant 1 : i32
      %sub3A_73 = arith.subi %div3A, %sub3A : i32
      %select_n3A = arith.select %and3A, %sub3A_73, %div3A : i32
      %jit3A_74 = arith.constant 64 : i32
      %eq3A = arith.constant 0 : i32
      %eq3A_75 = arith.cmpi eq, %jit3A_74, %eq3A : i32
      %jit3A_76 = arith.constant 1 : i32
      %select_n3A_77 = arith.select %eq3A_75, %jit3A_76, %jit3A_74 : i32
      %rem3A_78 = arith.remsi %scan3A_56, %select_n3A_77 : i32
      %ne3A_79 = arith.constant 0 : i32
      %ne3A_80 = arith.cmpi ne, %rem3A_78, %ne3A_79 : i32
      %lt3A = arith.constant 0 : i32
      %lt3A_81 = arith.cmpi slt, %rem3A_78, %lt3A : i32
      %lt3A_82 = arith.constant 0 : i32
      %lt3A_83 = arith.cmpi slt, %select_n3A_77, %lt3A_82 : i32
      %ne3A_84 = arith.xori %lt3A_81, %lt3A_83 : i1
      %and3A_85 = arith.andi %ne3A_84, %ne3A_80 : i1
      %add3A_86 = arith.addi %rem3A_78, %select_n3A_77 : i32
      %select_n3A_87 = arith.select %and3A_85, %add3A_86, %rem3A_78 : i32
      %mul3A_88 = arith.constant 16 : i32
      %mul3A_89 = arith.muli %select_n3A_87, %mul3A_88 : i32
      %swap3A = arith.constant 0 : i32
      %swap3A_90 = arith.index_cast %swap3A : i32 to index
      %swap3A_91 = arith.index_cast %select_n3A : i32 to index
      %swap3A_92 = arith.index_cast %mul3A_89 : i32 to index
      %swap3A_93 = tpu.vector_load %arg4[%swap3A_90, %swap3A_91, %swap3A_92] {strides = array<i32>} : memref<2x40x1024xf32, #tpu.memory_space<vmem>>, vector<16xf32>,
      tpu.vector_store %arg4[%swap3A_90, %swap3A_91, %swap3A_92], %broadcast_in_dim3A_1 {strides = array<i32>} : memref<2x40x1024xf32, #tpu.memory_space<vmem>>, vector<16xf32>,
      %mul3A_94 = arith.constant 16 : i32
      %mul3A_95 = arith.muli %select_n3A_87, %mul3A_94 : i32
      %swap3A_96 = arith.constant 1 : i32
      %swap3A_97 = arith.index_cast %swap3A_96 : i32 to index
      %swap3A_98 = arith.index_cast %select_n3A : i32 to index
      %swap3A_99 = arith.index_cast %mul3A_95 : i32 to index
      %swap3A_100 = tpu.vector_load %arg4[%swap3A_97, %swap3A_98, %swap3A_99] {strides = array<i32>} : memref<2x40x1024xf32, #tpu.memory_space<vmem>>, vector<16xf32>,
      tpu.vector_store %arg4[%swap3A_97, %swap3A_98, %swap3A_99], %broadcast_in_dim3A_1 {strides = array<i32>} : memref<2x40x1024xf32, #tpu.memory_space<vmem>>, vector<16xf32>,
      %scan3A_101 = arith.constant 0 : i32
      %scan3A_102 = arith.constant 1 : i32
      %scan3A_103 = arith.addi %scan3A_56, %scan3A_102 : i32
      %jit3A_104 = arith.constant 64 : i32
      %div3A_105 = arith.divsi %scan3A_103, %jit3A_104 : i32
      %sign3A_106 = arith.constant 0 : i32
      %sign3A_107 = arith.cmpi sgt, %scan3A_103, %sign3A_106 : i32
      %sign3A_108 = arith.extui %sign3A_107 : i1 to i32
      %sign3A_109 = arith.constant 0 : i32
      %sign3A_110 = arith.cmpi slt, %scan3A_103, %sign3A_109 : i32
      %sign3A_111 = arith.extui %sign3A_110 : i1 to i32
      %sign3A_112 = arith.subi %sign3A_108, %sign3A_111 : i32
      %sign3A_113 = arith.constant 0 : i32
      %sign3A_114 = arith.cmpi sgt, %jit3A_104, %sign3A_113 : i32
      %sign3A_115 = arith.extui %sign3A_114 : i1 to i32
      %sign3A_116 = arith.constant 0 : i32
      %sign3A_117 = arith.cmpi slt, %jit3A_104, %sign3A_116 : i32
      %sign3A_118 = arith.extui %sign3A_117 : i1 to i32
      %sign3A_119 = arith.subi %sign3A_115, %sign3A_118 : i32
      %ne3A_120 = arith.cmpi ne, %sign3A_112, %sign3A_119 : i32
      %rem3A_121 = arith.remsi %scan3A_103, %jit3A_104 : i32
      %ne3A_122 = arith.constant 0 : i32
      %ne3A_123 = arith.cmpi ne, %rem3A_121, %ne3A_122 : i32
      %and3A_124 = arith.andi %ne3A_120, %ne3A_123 : i1
      %sub3A_125 = arith.constant 1 : i32
      %sub3A_126 = arith.subi %div3A_105, %sub3A_125 : i32
      %select_n3A_127 = arith.select %and3A_124, %sub3A_126, %div3A_105 : i32
      %jit3A_128 = arith.constant 64 : i32
      %eq3A_129 = arith.constant 0 : i32
      %eq3A_130 = arith.cmpi eq, %jit3A_128, %eq3A_129 : i32
      %jit3A_131 = arith.constant 1 : i32
      %select_n3A_132 = arith.select %eq3A_130, %jit3A_131, %jit3A_128 : i32
      %rem3A_133 = arith.remsi %scan3A_103, %select_n3A_132 : i32
      %ne3A_134 = arith.constant 0 : i32
      %ne3A_135 = arith.cmpi ne, %rem3A_133, %ne3A_134 : i32
      %lt3A_136 = arith.constant 0 : i32
      %lt3A_137 = arith.cmpi slt, %rem3A_133, %lt3A_136 : i32
      %lt3A_138 = arith.constant 0 : i32
      %lt3A_139 = arith.cmpi slt, %select_n3A_132, %lt3A_138 : i32
      %ne3A_140 = arith.xori %lt3A_137, %lt3A_139 : i1
      %and3A_141 = arith.andi %ne3A_140, %ne3A_135 : i1
      %add3A_142 = arith.addi %rem3A_133, %select_n3A_132 : i32
      %select_n3A_143 = arith.select %and3A_141, %add3A_142, %rem3A_133 : i32
      %mul3A_144 = arith.constant 16 : i32
      %mul3A_145 = arith.muli %select_n3A_143, %mul3A_144 : i32
      %swap3A_146 = arith.constant 0 : i32
      %swap3A_147 = arith.index_cast %swap3A_146 : i32 to index
      %swap3A_148 = arith.index_cast %select_n3A_127 : i32 to index
      %swap3A_149 = arith.index_cast %mul3A_145 : i32 to index
      %swap3A_150 = tpu.vector_load %arg4[%swap3A_147, %swap3A_148, %swap3A_149] {strides = array<i32>} : memref<2x40x1024xf32, #tpu.memory_space<vmem>>, vector<16xf32>,
      tpu.vector_store %arg4[%swap3A_147, %swap3A_148, %swap3A_149], %broadcast_in_dim3A_1 {strides = array<i32>} : memref<2x40x1024xf32, #tpu.memory_space<vmem>>, vector<16xf32>,
      %mul3A_151 = arith.constant 16 : i32
      %mul3A_152 = arith.muli %select_n3A_143, %mul3A_151 : i32
      %swap3A_153 = arith.constant 1 : i32
      %swap3A_154 = arith.index_cast %swap3A_153 : i32 to index
      %swap3A_155 = arith.index_cast %select_n3A_127 : i32 to index
      %swap3A_156 = arith.index_cast %mul3A_152 : i32 to index
      %swap3A_157 = tpu.vector_load %arg4[%swap3A_154, %swap3A_155, %swap3A_156] {strides = array<i32>} : memref<2x40x1024xf32, #tpu.memory_space<vmem>>, vector<16xf32>,
      tpu.vector_store %arg4[%swap3A_154, %swap3A_155, %swap3A_156], %broadcast_in_dim3A_1 {strides = array<i32>} : memref<2x40x1024xf32, #tpu.memory_space<vmem>>, vector<16xf32>,
      %scan3A_158 = arith.constant 0 : i32
      %scan3A_159 = arith.constant 2 : i32
      %scan3A_160 = arith.addi %scan3A_56, %scan3A_159 : i32
      %jit3A_161 = arith.constant 64 : i32
      %div3A_162 = arith.divsi %scan3A_160, %jit3A_161 : i32
      %sign3A_163 = arith.constant 0 : i32
      %sign3A_164 = arith.cmpi sgt, %scan3A_160, %sign3A_163 : i32
      %sign3A_165 = arith.extui %sign3A_164 : i1 to i32
      %sign3A_166 = arith.constant 0 : i32
      %sign3A_167 = arith.cmpi slt, %scan3A_160, %sign3A_166 : i32
      %sign3A_168 = arith.extui %sign3A_167 : i1 to i32
      %sign3A_169 = arith.subi %sign3A_165, %sign3A_168 : i32
      %sign3A_170 = arith.constant 0 : i32
      %sign3A_171 = arith.cmpi sgt, %jit3A_161, %sign3A_170 : i32
      %sign3A_172 = arith.extui %sign3A_171 : i1 to i32
      %sign3A_173 = arith.constant 0 : i32
      %sign3A_174 = arith.cmpi slt, %jit3A_161, %sign3A_173 : i32
      %sign3A_175 = arith.extui %sign3A_174 : i1 to i32
      %sign3A_176 = arith.subi %sign3A_172, %sign3A_175 : i32
      %ne3A_177 = arith.cmpi ne, %sign3A_169, %sign3A_176 : i32
      %rem3A_178 = arith.remsi %scan3A_160, %jit3A_161 : i32
      %ne3A_179 = arith.constant 0 : i32
      %ne3A_180 = arith.cmpi ne, %rem3A_178, %ne3A_179 : i32
      %and3A_181 = arith.andi %ne3A_177, %ne3A_180 : i1
      %sub3A_182 = arith.constant 1 : i32
      %sub3A_183 = arith.subi %div3A_162, %sub3A_182 : i32
      %select_n3A_184 = arith.select %and3A_181, %sub3A_183, %div3A_162 : i32
      %jit3A_185 = arith.constant 64 : i32
      %eq3A_186 = arith.constant 0 : i32
      %eq3A_187 = arith.cmpi eq, %jit3A_185, %eq3A_186 : i32
      %jit3A_188 = arith.constant 1 : i32
      %select_n3A_189 = arith.select %eq3A_187, %jit3A_188, %jit3A_185 : i32
      %rem3A_190 = arith.remsi %scan3A_160, %select_n3A_189 : i32
      %ne3A_191 = arith.constant 0 : i32
      %ne3A_192 = arith.cmpi ne, %rem3A_190, %ne3A_191 : i32
      %lt3A_193 = arith.constant 0 : i32
      %lt3A_194 = arith.cmpi slt, %rem3A_190, %lt3A_193 : i32
      %lt3A_195 = arith.constant 0 : i32
      %lt3A_196 = arith.cmpi slt, %select_n3A_189, %lt3A_195 : i32
      %ne3A_197 = arith.xori %lt3A_194, %lt3A_196 : i1
      %and3A_198 = arith.andi %ne3A_197, %ne3A_192 : i1
      %add3A_199 = arith.addi %rem3A_190, %select_n3A_189 : i32
      %select_n3A_200 = arith.select %and3A_198, %add3A_199, %rem3A_190 : i32
      %mul3A_201 = arith.constant 16 : i32
      %mul3A_202 = arith.muli %select_n3A_200, %mul3A_201 : i32
      %swap3A_203 = arith.constant 0 : i32
      %swap3A_204 = arith.index_cast %swap3A_203 : i32 to index
      %swap3A_205 = arith.index_cast %select_n3A_184 : i32 to index
      %swap3A_206 = arith.index_cast %mul3A_202 : i32 to index
      %swap3A_207 = tpu.vector_load %arg4[%swap3A_204, %swap3A_205, %swap3A_206] {strides = array<i32>} : memref<2x40x1024xf32, #tpu.memory_space<vmem>>, vector<16xf32>,
      tpu.vector_store %arg4[%swap3A_204, %swap3A_205, %swap3A_206], %broadcast_in_dim3A_1 {strides = array<i32>} : memref<2x40x1024xf32, #tpu.memory_space<vmem>>, vector<16xf32>,
      %mul3A_208 = arith.constant 16 : i32
      %mul3A_209 = arith.muli %select_n3A_200, %mul3A_208 : i32
      %swap3A_210 = arith.constant 1 : i32
      %swap3A_211 = arith.index_cast %swap3A_210 : i32 to index
      %swap3A_212 = arith.index_cast %select_n3A_184 : i32 to index
      %swap3A_213 = arith.index_cast %mul3A_209 : i32 to index
      %swap3A_214 = tpu.vector_load %arg4[%swap3A_211, %swap3A_212, %swap3A_213] {strides = array<i32>} : memref<2x40x1024xf32, #tpu.memory_space<vmem>>, vector<16xf32>,
      tpu.vector_store %arg4[%swap3A_211, %swap3A_212, %swap3A_213], %broadcast_in_dim3A_1 {strides = array<i32>} : memref<2x40x1024xf32, #tpu.memory_space<vmem>>, vector<16xf32>,
      %scan3A_215 = arith.constant 0 : i32
      %scan3A_216 = arith.constant 3 : i32
      %scan3A_217 = arith.addi %scan3A_56, %scan3A_216 : i32
      %jit3A_218 = arith.constant 64 : i32
      %div3A_219 = arith.divsi %scan3A_217, %jit3A_218 : i32
      %sign3A_220 = arith.constant 0 : i32
      %sign3A_221 = arith.cmpi sgt, %scan3A_217, %sign3A_220 : i32
      %sign3A_222 = arith.extui %sign3A_221 : i1 to i32
      %sign3A_223 = arith.constant 0 : i32
      %sign3A_224 = arith.cmpi slt, %scan3A_217, %sign3A_223 : i32
      %sign3A_225 = arith.extui %sign3A_224 : i1 to i32
      %sign3A_226 = arith.subi %sign3A_222, %sign3A_225 : i32
      %sign3A_227 = arith.constant 0 : i32
      %sign3A_228 = arith.cmpi sgt, %jit3A_218, %sign3A_227 : i32
      %sign3A_229 = arith.extui %sign3A_228 : i1 to i32
      %sign3A_230 = arith.constant 0 : i32
      %sign3A_231 = arith.cmpi slt, %jit3A_218, %sign3A_230 : i32
      %sign3A_232 = arith.extui %sign3A_231 : i1 to i32
      %sign3A_233 = arith.subi %sign3A_229, %sign3A_232 : i32
      %ne3A_234 = arith.cmpi ne, %sign3A_226, %sign3A_233 : i32
      %rem3A_235 = arith.remsi %scan3A_217, %jit3A_218 : i32
      %ne3A_236 = arith.constant 0 : i32
      %ne3A_237 = arith.cmpi ne, %rem3A_235, %ne3A_236 : i32
      %and3A_238 = arith.andi %ne3A_234, %ne3A_237 : i1
      %sub3A_239 = arith.constant 1 : i32
      %sub3A_240 = arith.subi %div3A_219, %sub3A_239 : i32
      %select_n3A_241 = arith.select %and3A_238, %sub3A_240, %div3A_219 : i32
      %jit3A_242 = arith.constant 64 : i32
      %eq3A_243 = arith.constant 0 : i32
      %eq3A_244 = arith.cmpi eq, %jit3A_242, %eq3A_243 : i32
      %jit3A_245 = arith.constant 1 : i32
      %select_n3A_246 = arith.select %eq3A_244, %jit3A_245, %jit3A_242 : i32
      %rem3A_247 = arith.remsi %scan3A_217, %select_n3A_246 : i32
      %ne3A_248 = arith.constant 0 : i32
      %ne3A_249 = arith.cmpi ne, %rem3A_247, %ne3A_248 : i32
      %lt3A_250 = arith.constant 0 : i32
      %lt3A_251 = arith.cmpi slt, %rem3A_247, %lt3A_250 : i32
      %lt3A_252 = arith.constant 0 : i32
      %lt3A_253 = arith.cmpi slt, %select_n3A_246, %lt3A_252 : i32
      %ne3A_254 = arith.xori %lt3A_251, %lt3A_253 : i1
      %and3A_255 = arith.andi %ne3A_254, %ne3A_249 : i1
      %add3A_256 = arith.addi %rem3A_247, %select_n3A_246 : i32
      %select_n3A_257 = arith.select %and3A_255, %add3A_256, %rem3A_247 : i32
      %mul3A_258 = arith.constant 16 : i32
      %mul3A_259 = arith.muli %select_n3A_257, %mul3A_258 : i32
      %swap3A_260 = arith.constant 0 : i32
      %swap3A_261 = arith.index_cast %swap3A_260 : i32 to index
      %swap3A_262 = arith.index_cast %select_n3A_241 : i32 to index
      %swap3A_263 = arith.index_cast %mul3A_259 : i32 to index
      %swap3A_264 = tpu.vector_load %arg4[%swap3A_261, %swap3A_262, %swap3A_263] {strides = array<i32>} : memref<2x40x1024xf32, #tpu.memory_space<vmem>>, vector<16xf32>,
      tpu.vector_store %arg4[%swap3A_261, %swap3A_262, %swap3A_263], %broadcast_in_dim3A_1 {strides = array<i32>} : memref<2x40x1024xf32, #tpu.memory_space<vmem>>, vector<16xf32>,
      %mul3A_265 = arith.constant 16 : i32
      %mul3A_266 = arith.muli %select_n3A_257, %mul3A_265 : i32
      %swap3A_267 = arith.constant 1 : i32
      %swap3A_268 = arith.index_cast %swap3A_267 : i32 to index
      %swap3A_269 = arith.index_cast %select_n3A_241 : i32 to index
      %swap3A_270 = arith.index_cast %mul3A_266 : i32 to index
      %swap3A_271 = tpu.vector_load %arg4[%swap3A_268, %swap3A_269, %swap3A_270] {strides = array<i32>} : memref<2x40x1024xf32, #tpu.memory_space<vmem>>, vector<16xf32>,
      tpu.vector_store %arg4[%swap3A_268, %swap3A_269, %swap3A_270], %broadcast_in_dim3A_1 {strides = array<i32>} : memref<2x40x1024xf32, #tpu.memory_space<vmem>>, vector<16xf32>,
      %scan3A_272 = arith.constant 0 : i32
      %scan3A_273 = arith.constant 4 : i32
      %scan3A_274 = arith.addi %scan3A_56, %scan3A_273 : i32
      %jit3A_275 = arith.constant 64 : i32
      %div3A_276 = arith.divsi %scan3A_274, %jit3A_275 : i32
      %sign3A_277 = arith.constant 0 : i32
      %sign3A_278 = arith.cmpi sgt, %scan3A_274, %sign3A_277 : i32
      %sign3A_279 = arith.extui %sign3A_278 : i1 to i32
      %sign3A_280 = arith.constant 0 : i32
      %sign3A_281 = arith.cmpi slt, %scan3A_274, %sign3A_280 : i32
      %sign3A_282 = arith.extui %sign3A_281 : i1 to i32
      %sign3A_283 = arith.subi %sign3A_279, %sign3A_282 : i32
      %sign3A_284 = arith.constant 0 : i32
      %sign3A_285 = arith.cmpi sgt, %jit3A_275, %sign3A_284 : i32
      %sign3A_286 = arith.extui %sign3A_285 : i1 to i32
      %sign3A_287 = arith.constant 0 : i32
      %sign3A_288 = arith.cmpi slt, %jit3A_275, %sign3A_287 : i32
      %sign3A_289 = arith.extui %sign3A_288 : i1 to i32
      %sign3A_290 = arith.subi %sign3A_286, %sign3A_289 : i32
      %ne3A_291 = arith.cmpi ne, %sign3A_283, %sign3A_290 : i32
      %rem3A_292 = arith.remsi %scan3A_274, %jit3A_275 : i32
      %ne3A_293 = arith.constant 0 : i32
      %ne3A_294 = arith.cmpi ne, %rem3A_292, %ne3A_293 : i32
      %and3A_295 = arith.andi %ne3A_291, %ne3A_294 : i1
      %sub3A_296 = arith.constant 1 : i32
      %sub3A_297 = arith.subi %div3A_276, %sub3A_296 : i32
      %select_n3A_298 = arith.select %and3A_295, %sub3A_297, %div3A_276 : i32
      %jit3A_299 = arith.constant 64 : i32
      %eq3A_300 = arith.constant 0 : i32
      %eq3A_301 = arith.cmpi eq, %jit3A_299, %eq3A_300 : i32
      %jit3A_302 = arith.constant 1 : i32
      %select_n3A_303 = arith.select %eq3A_301, %jit3A_302, %jit3A_299 : i32
      %rem3A_304 = arith.remsi %scan3A_274, %select_n3A_303 : i32
      %ne3A_305 = arith.constant 0 : i32
      %ne3A_306 = arith.cmpi ne, %rem3A_304, %ne3A_305 : i32
      %lt3A_307 = arith.constant 0 : i32
      %lt3A_308 = arith.cmpi slt, %rem3A_304, %lt3A_307 : i32
      %lt3A_309 = arith.constant 0 : i32
      %lt3A_310 = arith.cmpi slt, %select_n3A_303, %lt3A_309 : i32
      %ne3A_311 = arith.xori %lt3A_308, %lt3A_310 : i1
      %and3A_312 = arith.andi %ne3A_311, %ne3A_306 : i1
      %add3A_313 = arith.addi %rem3A_304, %select_n3A_303 : i32
      %select_n3A_314 = arith.select %and3A_312, %add3A_313, %rem3A_304 : i32
      %mul3A_315 = arith.constant 16 : i32
      %mul3A_316 = arith.muli %select_n3A_314, %mul3A_315 : i32
      %swap3A_317 = arith.constant 0 : i32
      %swap3A_318 = arith.index_cast %swap3A_317 : i32 to index
      %swap3A_319 = arith.index_cast %select_n3A_298 : i32 to index
      %swap3A_320 = arith.index_cast %mul3A_316 : i32 to index
      %swap3A_321 = tpu.vector_load %arg4[%swap3A_318, %swap3A_319, %swap3A_320] {strides = array<i32>} : memref<2x40x1024xf32, #tpu.memory_space<vmem>>, vector<16xf32>,
      tpu.vector_store %arg4[%swap3A_318, %swap3A_319, %swap3A_320], %broadcast_in_dim3A_1 {strides = array<i32>} : memref<2x40x1024xf32, #tpu.memory_space<vmem>>, vector<16xf32>,
      %mul3A_322 = arith.constant 16 : i32
      %mul3A_323 = arith.muli %select_n3A_314, %mul3A_322 : i32
      %swap3A_324 = arith.constant 1 : i32
      %swap3A_325 = arith.index_cast %swap3A_324 : i32 to index
      %swap3A_326 = arith.index_cast %select_n3A_298 : i32 to index
      %swap3A_327 = arith.index_cast %mul3A_323 : i32 to index
      %swap3A_328 = tpu.vector_load %arg4[%swap3A_325, %swap3A_326, %swap3A_327] {strides = array<i32>} : memref<2x40x1024xf32, #tpu.memory_space<vmem>>, vector<16xf32>,
      tpu.vector_store %arg4[%swap3A_325, %swap3A_326, %swap3A_327], %broadcast_in_dim3A_1 {strides = array<i32>} : memref<2x40x1024xf32, #tpu.memory_space<vmem>>, vector<16xf32>,
      %scan3A_329 = arith.constant 0 : i32
      %scan3A_330 = arith.constant 5 : i32
      %scan3A_331 = arith.addi %scan3A_56, %scan3A_330 : i32
      %jit3A_332 = arith.constant 64 : i32
      %div3A_333 = arith.divsi %scan3A_331, %jit3A_332 : i32
      %sign3A_334 = arith.constant 0 : i32
      %sign3A_335 = arith.cmpi sgt, %scan3A_331, %sign3A_334 : i32
      %sign3A_336 = arith.extui %sign3A_335 : i1 to i32
      %sign3A_337 = arith.constant 0 : i32
      %sign3A_338 = arith.cmpi slt, %scan3A_331, %sign3A_337 : i32
      %sign3A_339 = arith.extui %sign3A_338 : i1 to i32
      %sign3A_340 = arith.subi %sign3A_336, %sign3A_339 : i32
      %sign3A_341 = arith.constant 0 : i32
      %sign3A_342 = arith.cmpi sgt, %jit3A_332, %sign3A_341 : i32
      %sign3A_343 = arith.extui %sign3A_342 : i1 to i32
      %sign3A_344 = arith.constant 0 : i32
      %sign3A_345 = arith.cmpi slt, %jit3A_332, %sign3A_344 : i32
      %sign3A_346 = arith.extui %sign3A_345 : i1 to i32
      %sign3A_347 = arith.subi %sign3A_343, %sign3A_346 : i32
      %ne3A_348 = arith.cmpi ne, %sign3A_340, %sign3A_347 : i32
      %rem3A_349 = arith.remsi %scan3A_331, %jit3A_332 : i32
      %ne3A_350 = arith.constant 0 : i32
      %ne3A_351 = arith.cmpi ne, %rem3A_349, %ne3A_350 : i32
      %and3A_352 = arith.andi %ne3A_348, %ne3A_351 : i1
      %sub3A_353 = arith.constant 1 : i32
      %sub3A_354 = arith.subi %div3A_333, %sub3A_353 : i32
      %select_n3A_355 = arith.select %and3A_352, %sub3A_354, %div3A_333 : i32
      %jit3A_356 = arith.constant 64 : i32
      %eq3A_357 = arith.constant 0 : i32
      %eq3A_358 = arith.cmpi eq, %jit3A_356, %eq3A_357 : i32
      %jit3A_359 = arith.constant 1 : i32
      %select_n3A_360 = arith.select %eq3A_358, %jit3A_359, %jit3A_356 : i32
      %rem3A_361 = arith.remsi %scan3A_331, %select_n3A_360 : i32
      %ne3A_362 = arith.constant 0 : i32
      %ne3A_363 = arith.cmpi ne, %rem3A_361, %ne3A_362 : i32
      %lt3A_364 = arith.constant 0 : i32
      %lt3A_365 = arith.cmpi slt, %rem3A_361, %lt3A_364 : i32
      %lt3A_366 = arith.constant 0 : i32
      %lt3A_367 = arith.cmpi slt, %select_n3A_360, %lt3A_366 : i32
      %ne3A_368 = arith.xori %lt3A_365, %lt3A_367 : i1
      %and3A_369 = arith.andi %ne3A_368, %ne3A_363 : i1
      %add3A_370 = arith.addi %rem3A_361, %select_n3A_360 : i32
      %select_n3A_371 = arith.select %and3A_369, %add3A_370, %rem3A_361 : i32
      %mul3A_372 = arith.constant 16 : i32
      %mul3A_373 = arith.muli %select_n3A_371, %mul3A_372 : i32
      %swap3A_374 = arith.constant 0 : i32
      %swap3A_375 = arith.index_cast %swap3A_374 : i32 to index
      %swap3A_376 = arith.index_cast %select_n3A_355 : i32 to index
      %swap3A_377 = arith.index_cast %mul3A_373 : i32 to index
      %swap3A_378 = tpu.vector_load %arg4[%swap3A_375, %swap3A_376, %swap3A_377] {strides = array<i32>} : memref<2x40x1024xf32, #tpu.memory_space<vmem>>, vector<16xf32>,
      tpu.vector_store %arg4[%swap3A_375, %swap3A_376, %swap3A_377], %broadcast_in_dim3A_1 {strides = array<i32>} : memref<2x40x1024xf32, #tpu.memory_space<vmem>>, vector<16xf32>,
      %mul3A_379 = arith.constant 16 : i32
      %mul3A_380 = arith.muli %select_n3A_371, %mul3A_379 : i32
      %swap3A_381 = arith.constant 1 : i32
      %swap3A_382 = arith.index_cast %swap3A_381 : i32 to index
      %swap3A_383 = arith.index_cast %select_n3A_355 : i32 to index
      %swap3A_384 = arith.index_cast %mul3A_380 : i32 to index
      %swap3A_385 = tpu.vector_load %arg4[%swap3A_382, %swap3A_383, %swap3A_384] {strides = array<i32>} : memref<2x40x1024xf32, #tpu.memory_space<vmem>>, vector<16xf32>,
      tpu.vector_store %arg4[%swap3A_382, %swap3A_383, %swap3A_384], %broadcast_in_dim3A_1 {strides = array<i32>} : memref<2x40x1024xf32, #tpu.memory_space<vmem>>, vector<16xf32>,
      %scan3A_386 = arith.constant 0 : i32
      %scan3A_387 = arith.constant 6 : i32
      %scan3A_388 = arith.addi %scan3A_56, %scan3A_387 : i32
      %jit3A_389 = arith.constant 64 : i32
      %div3A_390 = arith.divsi %scan3A_388, %jit3A_389 : i32
      %sign3A_391 = arith.constant 0 : i32
      %sign3A_392 = arith.cmpi sgt, %scan3A_388, %sign3A_391 : i32
      %sign3A_393 = arith.extui %sign3A_392 : i1 to i32
      %sign3A_394 = arith.constant 0 : i32
      %sign3A_395 = arith.cmpi slt, %scan3A_388, %sign3A_394 : i32
      %sign3A_396 = arith.extui %sign3A_395 : i1 to i32
      %sign3A_397 = arith.subi %sign3A_393, %sign3A_396 : i32
      %sign3A_398 = arith.constant 0 : i32
      %sign3A_399 = arith.cmpi sgt, %jit3A_389, %sign3A_398 : i32
      %sign3A_400 = arith.extui %sign3A_399 : i1 to i32
      %sign3A_401 = arith.constant 0 : i32
      %sign3A_402 = arith.cmpi slt, %jit3A_389, %sign3A_401 : i32
      %sign3A_403 = arith.extui %sign3A_402 : i1 to i32
      %sign3A_404 = arith.subi %sign3A_400, %sign3A_403 : i32
      %ne3A_405 = arith.cmpi ne, %sign3A_397, %sign3A_404 : i32
      %rem3A_406 = arith.remsi %scan3A_388, %jit3A_389 : i32
      %ne3A_407 = arith.constant 0 : i32
      %ne3A_408 = arith.cmpi ne, %rem3A_406, %ne3A_407 : i32
      %and3A_409 = arith.andi %ne3A_405, %ne3A_408 : i1
      %sub3A_410 = arith.constant 1 : i32
      %sub3A_411 = arith.subi %div3A_390, %sub3A_410 : i32
      %select_n3A_412 = arith.select %and3A_409, %sub3A_411, %div3A_390 : i32
      %jit3A_413 = arith.constant 64 : i32
      %eq3A_414 = arith.constant 0 : i32
      %eq3A_415 = arith.cmpi eq, %jit3A_413, %eq3A_414 : i32
      %jit3A_416 = arith.constant 1 : i32
      %select_n3A_417 = arith.select %eq3A_415, %jit3A_416, %jit3A_413 : i32
      %rem3A_418 = arith.remsi %scan3A_388, %select_n3A_417 : i32
      %ne3A_419 = arith.constant 0 : i32
      %ne3A_420 = arith.cmpi ne, %rem3A_418, %ne3A_419 : i32
      %lt3A_421 = arith.constant 0 : i32
      %lt3A_422 = arith.cmpi slt, %rem3A_418, %lt3A_421 : i32
      %lt3A_423 = arith.constant 0 : i32
      %lt3A_424 = arith.cmpi slt, %select_n3A_417, %lt3A_423 : i32
      %ne3A_425 = arith.xori %lt3A_422, %lt3A_424 : i1
      %and3A_426 = arith.andi %ne3A_425, %ne3A_420 : i1
      %add3A_427 = arith.addi %rem3A_418, %select_n3A_417 : i32
      %select_n3A_428 = arith.select %and3A_426, %add3A_427, %rem3A_418 : i32
      %mul3A_429 = arith.constant 16 : i32
      %mul3A_430 = arith.muli %select_n3A_428, %mul3A_429 : i32
      %swap3A_431 = arith.constant 0 : i32
      %swap3A_432 = arith.index_cast %swap3A_431 : i32 to index
      %swap3A_433 = arith.index_cast %select_n3A_412 : i32 to index
      %swap3A_434 = arith.index_cast %mul3A_430 : i32 to index
      %swap3A_435 = tpu.vector_load %arg4[%swap3A_432, %swap3A_433, %swap3A_434] {strides = array<i32>} : memref<2x40x1024xf32, #tpu.memory_space<vmem>>, vector<16xf32>,
      tpu.vector_store %arg4[%swap3A_432, %swap3A_433, %swap3A_434], %broadcast_in_dim3A_1 {strides = array<i32>} : memref<2x40x1024xf32, #tpu.memory_space<vmem>>, vector<16xf32>,
      %mul3A_436 = arith.constant 16 : i32
      %mul3A_437 = arith.muli %select_n3A_428, %mul3A_436 : i32
      %swap3A_438 = arith.constant 1 : i32
      %swap3A_439 = arith.index_cast %swap3A_438 : i32 to index
      %swap3A_440 = arith.index_cast %select_n3A_412 : i32 to index
      %swap3A_441 = arith.index_cast %mul3A_437 : i32 to index
      %swap3A_442 = tpu.vector_load %arg4[%swap3A_439, %swap3A_440, %swap3A_441] {strides = array<i32>} : memref<2x40x1024xf32, #tpu.memory_space<vmem>>, vector<16xf32>,
      tpu.vector_store %arg4[%swap3A_439, %swap3A_440, %swap3A_441], %broadcast_in_dim3A_1 {strides = array<i32>} : memref<2x40x1024xf32, #tpu.memory_space<vmem>>, vector<16xf32>,
      %scan3A_443 = arith.constant 0 : i32
      %scan3A_444 = arith.constant 7 : i32
      %scan3A_445 = arith.addi %scan3A_56, %scan3A_444 : i32
      %jit3A_446 = arith.constant 64 : i32
      %div3A_447 = arith.divsi %scan3A_445, %jit3A_446 : i32
      %sign3A_448 = arith.constant 0 : i32
      %sign3A_449 = arith.cmpi sgt, %scan3A_445, %sign3A_448 : i32
      %sign3A_450 = arith.extui %sign3A_449 : i1 to i32
      %sign3A_451 = arith.constant 0 : i32
      %sign3A_452 = arith.cmpi slt, %scan3A_445, %sign3A_451 : i32
      %sign3A_453 = arith.extui %sign3A_452 : i1 to i32
      %sign3A_454 = arith.subi %sign3A_450, %sign3A_453 : i32
      %sign3A_455 = arith.constant 0 : i32
      %sign3A_456 = arith.cmpi sgt, %jit3A_446, %sign3A_455 : i32
      %sign3A_457 = arith.extui %sign3A_456 : i1 to i32
      %sign3A_458 = arith.constant 0 : i32
      %sign3A_459 = arith.cmpi slt, %jit3A_446, %sign3A_458 : i32
      %sign3A_460 = arith.extui %sign3A_459 : i1 to i32
      %sign3A_461 = arith.subi %sign3A_457, %sign3A_460 : i32
      %ne3A_462 = arith.cmpi ne, %sign3A_454, %sign3A_461 : i32
      %rem3A_463 = arith.remsi %scan3A_445, %jit3A_446 : i32
      %ne3A_464 = arith.constant 0 : i32
      %ne3A_465 = arith.cmpi ne, %rem3A_463, %ne3A_464 : i32
      %and3A_466 = arith.andi %ne3A_462, %ne3A_465 : i1
      %sub3A_467 = arith.constant 1 : i32
      %sub3A_468 = arith.subi %div3A_447, %sub3A_467 : i32
      %select_n3A_469 = arith.select %and3A_466, %sub3A_468, %div3A_447 : i32
      %jit3A_470 = arith.constant 64 : i32
      %eq3A_471 = arith.constant 0 : i32
      %eq3A_472 = arith.cmpi eq, %jit3A_470, %eq3A_471 : i32
      %jit3A_473 = arith.constant 1 : i32
      %select_n3A_474 = arith.select %eq3A_472, %jit3A_473, %jit3A_470 : i32
      %rem3A_475 = arith.remsi %scan3A_445, %select_n3A_474 : i32
      %ne3A_476 = arith.constant 0 : i32
      %ne3A_477 = arith.cmpi ne, %rem3A_475, %ne3A_476 : i32
      %lt3A_478 = arith.constant 0 : i32
      %lt3A_479 = arith.cmpi slt, %rem3A_475, %lt3A_478 : i32
      %lt3A_480 = arith.constant 0 : i32
      %lt3A_481 = arith.cmpi slt, %select_n3A_474, %lt3A_480 : i32
      %ne3A_482 = arith.xori %lt3A_479, %lt3A_481 : i1
      %and3A_483 = arith.andi %ne3A_482, %ne3A_477 : i1
      %add3A_484 = arith.addi %rem3A_475, %select_n3A_474 : i32
      %select_n3A_485 = arith.select %and3A_483, %add3A_484, %rem3A_475 : i32
      %mul3A_486 = arith.constant 16 : i32
      %mul3A_487 = arith.muli %select_n3A_485, %mul3A_486 : i32
      %swap3A_488 = arith.constant 0 : i32
      %swap3A_489 = arith.index_cast %swap3A_488 : i32 to index
      %swap3A_490 = arith.index_cast %select_n3A_469 : i32 to index
      %swap3A_491 = arith.index_cast %mul3A_487 : i32 to index
      %swap3A_492 = tpu.vector_load %arg4[%swap3A_489, %swap3A_490, %swap3A_491] {strides = array<i32>} : memref<2x40x1024xf32, #tpu.memory_space<vmem>>, vector<16xf32>,
      tpu.vector_store %arg4[%swap3A_489, %swap3A_490, %swap3A_491], %broadcast_in_dim3A_1 {strides = array<i32>} : memref<2x40x1024xf32, #tpu.memory_space<vmem>>, vector<16xf32>,
      %mul3A_493 = arith.constant 16 : i32
      %mul3A_494 = arith.muli %select_n3A_485, %mul3A_493 : i32
      %swap3A_495 = arith.constant 1 : i32
      %swap3A_496 = arith.index_cast %swap3A_495 : i32 to index
      %swap3A_497 = arith.index_cast %select_n3A_469 : i32 to index
      %swap3A_498 = arith.index_cast %mul3A_494 : i32 to index
      %swap3A_499 = tpu.vector_load %arg4[%swap3A_496, %swap3A_497, %swap3A_498] {strides = array<i32>} : memref<2x40x1024xf32, #tpu.memory_space<vmem>>, vector<16xf32>,
      tpu.vector_store %arg4[%swap3A_496, %swap3A_497, %swap3A_498], %broadcast_in_dim3A_1 {strides = array<i32>} : memref<2x40x1024xf32, #tpu.memory_space<vmem>>, vector<16xf32>,
      %scan3A_500 = arith.constant 0 : i32
      scf.yield %scan3A_500 : i32
    }
    %scan3A_7 = arith.constant 2560 : i32
    %scan3A_8 = arith.constant 0 : i32
    %scan3A_9 = arith.constant 0 : i32
    %scan3A_10 = arith.constant 20 : i32
    %scan3A_11 = arith.addi %scan3A_9, %scan3A_10 : i32
    %scan3A_12 = arith.constant 1 : i32
    %scan3A_13 = scf.for %scan3A_56 = %scan3A_9 to %scan3A_11 step %scan3A_12 iter_args(%scan3A_57 = %scan3A_8) -> (i32)  : i32 {
      %mul3A_58 = arith.constant 2 : i32
      %mul3A_59 = arith.muli %scan3A_56, %mul3A_58 : i32
      %add3A_60 = arith.constant 0 : i32
      %add3A_61 = arith.addi %mul3A_59, %add3A_60 : i32
      %mul3A_62 = arith.constant 32 : i32
      %mul3A_63 = arith.muli %add3A_61, %mul3A_62 : i32
      %add3A_64 = arith.addi %add3A, %mul3A_63 : i32
      %min3A = arith.constant 1249 : i32
      %min3A_65 = arith.minsi %add3A_64, %min3A : i32
      %jit3A = arith.constant 25 : i32
      %div3A = arith.divsi %min3A_65, %jit3A : i32
      %sign3A = arith.constant 0 : i32
      %sign3A_66 = arith.cmpi sgt, %min3A_65, %sign3A : i32
      %sign3A_67 = arith.extui %sign3A_66 : i1 to i32
      %sign3A_68 = arith.constant 0 : i32
      %sign3A_69 = arith.cmpi slt, %min3A_65, %sign3A_68 : i32
      %sign3A_70 = arith.extui %sign3A_69 : i1 to i32
      %sign3A_71 = arith.subi %sign3A_67, %sign3A_70 : i32
      %sign3A_72 = arith.constant 0 : i32
      %sign3A_73 = arith.cmpi sgt, %jit3A, %sign3A_72 : i32
      %sign3A_74 = arith.extui %sign3A_73 : i1 to i32
      %sign3A_75 = arith.constant 0 : i32
      %sign3A_76 = arith.cmpi slt, %jit3A, %sign3A_75 : i32
      %sign3A_77 = arith.extui %sign3A_76 : i1 to i32
      %sign3A_78 = arith.subi %sign3A_74, %sign3A_77 : i32
      %ne3A = arith.cmpi ne, %sign3A_71, %sign3A_78 : i32
      %rem3A = arith.remsi %min3A_65, %jit3A : i32
      %ne3A_79 = arith.constant 0 : i32
      %ne3A_80 = arith.cmpi ne, %rem3A, %ne3A_79 : i32
      %and3A = arith.andi %ne3A, %ne3A_80 : i1
      %sub3A = arith.constant 1 : i32
      %sub3A_81 = arith.subi %div3A, %sub3A : i32
      %select_n3A = arith.select %and3A, %sub3A_81, %div3A : i32
      %jit3A_82 = arith.constant 25 : i32
      %eq3A = arith.constant 0 : i32
      %eq3A_83 = arith.cmpi eq, %jit3A_82, %eq3A : i32
      %jit3A_84 = arith.constant 1 : i32
      %select_n3A_85 = arith.select %eq3A_83, %jit3A_84, %jit3A_82 : i32
      %rem3A_86 = arith.remsi %min3A_65, %select_n3A_85 : i32
      %ne3A_87 = arith.constant 0 : i32
      %ne3A_88 = arith.cmpi ne, %rem3A_86, %ne3A_87 : i32
      %lt3A = arith.constant 0 : i32
      %lt3A_89 = arith.cmpi slt, %rem3A_86, %lt3A : i32
      %lt3A_90 = arith.constant 0 : i32
      %lt3A_91 = arith.cmpi slt, %select_n3A_85, %lt3A_90 : i32
      %ne3A_92 = arith.xori %lt3A_89, %lt3A_91 : i1
      %and3A_93 = arith.andi %ne3A_92, %ne3A_88 : i1
      %add3A_94 = arith.addi %rem3A_86, %select_n3A_85 : i32
      %select_n3A_95 = arith.select %and3A_93, %add3A_94, %rem3A_86 : i32
      %mul3A_96 = arith.constant 40 : i32
      %mul3A_97 = arith.muli %select_n3A_95, %mul3A_96 : i32
      %gt3A = arith.constant 0 : i32
      %gt3A_98 = arith.cmpi sgt, %scan3A_56, %gt3A : i32
      %convert_element_type3A = arith.extui %gt3A_98 : i1 to i32
      %cond3A = arith.constant 0 : i32
      %cond3A_99 = arith.constant 0 : i32
      %cond3A_100 = arith.cmpi ne, %convert_element_type3A, %cond3A_99 : i32
      scf.if %cond3A_100 {
        %dma_wait3A_215 = arith.constant 0 : i32
        %dma_wait3A_216 = arith.constant 0 : i32
        %dma_wait3A_217 = arith.constant 0 : i32
        %dma_wait3A_218 = arith.constant 0 : i32
        %dma_wait3A_219 = tpu.memref_slice %arg4[%cond3A, %dma_wait3A_217, %dma_wait3A_218] : memref<2x40x1024xf32, #tpu.memory_space<vmem>> -> memref<1x40x1024xf32, #tpu.memory_space<vmem>>
        %dma_wait3A_220 = tpu.memref_squeeze %dma_wait3A_219 : memref<1x40x1024xf32, #tpu.memory_space<vmem>> -> memref<40x1024xf32, #tpu.memory_space<vmem>>
        %dma_wait3A_221 = arith.constant 0 : i32
        %dma_wait3A_222 = arith.constant 0 : i32
        %dma_wait3A_223 = tpu.memref_slice %arg3[%dma_wait3A_215, %dma_wait3A_221, %dma_wait3A_222] : memref<50x1000x1024xf32, #tpu.memory_space<hbm>> -> memref<1x40x1024xf32, #tpu.memory_space<hbm>>
        %dma_wait3A_224 = tpu.memref_squeeze %dma_wait3A_223 : memref<1x40x1024xf32, #tpu.memory_space<hbm>> -> memref<40x1024xf32, #tpu.memory_space<hbm>>
        %dma_wait3A_225 = tpu.memref_slice %arg6[%dma_wait3A_216] : memref<2x!tpu.dma_semaphore, #tpu.memory_space<semaphore_mem>> -> memref<1x!tpu.dma_semaphore, #tpu.memory_space<semaphore_mem>>
        %dma_wait3A_226 = tpu.memref_squeeze %dma_wait3A_225 : memref<1x!tpu.dma_semaphore, #tpu.memory_space<semaphore_mem>> -> memref<!tpu.dma_semaphore, #tpu.memory_space<semaphore_mem>>
        %dma_wait3A_227 = arith.constant 0 : i32
        %dma_wait3A_228 = arith.constant 0 : i32
        %dma_wait3A_229 = tpu.memref_slice %arg3[%dma_wait3A_215, %dma_wait3A_227, %dma_wait3A_228] : memref<50x1000x1024xf32, #tpu.memory_space<hbm>> -> memref<1x40x1024xf32, #tpu.memory_space<hbm>>
        %dma_wait3A_230 = tpu.memref_squeeze %dma_wait3A_229 : memref<1x40x1024xf32, #tpu.memory_space<hbm>> -> memref<40x1024xf32, #tpu.memory_space<hbm>>
        %dma_wait3A_231 = arith.constant 0 : i32
        %dma_wait3A_232 = arith.constant 0 : i32
        %dma_wait3A_233 = tpu.memref_slice %arg4[%cond3A, %dma_wait3A_231, %dma_wait3A_232] : memref<2x40x1024xf32, #tpu.memory_space<vmem>> -> memref<1x40x1024xf32, #tpu.memory_space<vmem>>
        %dma_wait3A_234 = tpu.memref_squeeze %dma_wait3A_233 : memref<1x40x1024xf32, #tpu.memory_space<vmem>> -> memref<40x1024xf32, #tpu.memory_space<vmem>>
        tpu.wait_dma2 semaphore(%dma_wait3A_226 : memref<!tpu.dma_semaphore, #tpu.memory_space<semaphore_mem>>) src(%dma_wait3A_234 : memref<40x1024xf32, #tpu.memory_space<vmem>>) dst(%dma_wait3A_230 : memref<40x1024xf32, #tpu.memory_space<hbm>>)
        %sub3A_235 = arith.constant 1 : i32
        %sub3A_236 = arith.subi %scan3A_56, %sub3A_235 : i32
        %mul3A_237 = arith.constant 2 : i32
        %mul3A_238 = arith.muli %sub3A_236, %mul3A_237 : i32
        %add3A_239 = arith.constant 0 : i32
        %add3A_240 = arith.addi %mul3A_238, %add3A_239 : i32
        %mul3A_241 = arith.constant 32 : i32
        %mul3A_242 = arith.muli %add3A_240, %mul3A_241 : i32
        %add3A_243 = arith.addi %add3A, %mul3A_242 : i32
        %min3A_244 = arith.constant 1249 : i32
        %min3A_245 = arith.minsi %add3A_243, %min3A_244 : i32
        %jit3A_246 = arith.constant 25 : i32
        %div3A_247 = arith.divsi %min3A_245, %jit3A_246 : i32
        %sign3A_248 = arith.constant 0 : i32
        %sign3A_249 = arith.cmpi sgt, %min3A_245, %sign3A_248 : i32
        %sign3A_250 = arith.extui %sign3A_249 : i1 to i32
        %sign3A_251 = arith.constant 0 : i32
        %sign3A_252 = arith.cmpi slt, %min3A_245, %sign3A_251 : i32
        %sign3A_253 = arith.extui %sign3A_252 : i1 to i32
        %sign3A_254 = arith.subi %sign3A_250, %sign3A_253 : i32
        %sign3A_255 = arith.constant 0 : i32
        %sign3A_256 = arith.cmpi sgt, %jit3A_246, %sign3A_255 : i32
        %sign3A_257 = arith.extui %sign3A_256 : i1 to i32
        %sign3A_258 = arith.constant 0 : i32
        %sign3A_259 = arith.cmpi slt, %jit3A_246, %sign3A_258 : i32
        %sign3A_260 = arith.extui %sign3A_259 : i1 to i32
        %sign3A_261 = arith.subi %sign3A_257, %sign3A_260 : i32
        %ne3A_262 = arith.cmpi ne, %sign3A_254, %sign3A_261 : i32
        %rem3A_263 = arith.remsi %min3A_245, %jit3A_246 : i32
        %ne3A_264 = arith.constant 0 : i32
        %ne3A_265 = arith.cmpi ne, %rem3A_263, %ne3A_264 : i32
        %and3A_266 = arith.andi %ne3A_262, %ne3A_265 : i1
        %sub3A_267 = arith.constant 1 : i32
        %sub3A_268 = arith.subi %div3A_247, %sub3A_267 : i32
        %select_n3A_269 = arith.select %and3A_266, %sub3A_268, %div3A_247 : i32
        %jit3A_270 = arith.constant 25 : i32
        %eq3A_271 = arith.constant 0 : i32
        %eq3A_272 = arith.cmpi eq, %jit3A_270, %eq3A_271 : i32
        %jit3A_273 = arith.constant 1 : i32
        %select_n3A_274 = arith.select %eq3A_272, %jit3A_273, %jit3A_270 : i32
        %rem3A_275 = arith.remsi %min3A_245, %select_n3A_274 : i32
        %ne3A_276 = arith.constant 0 : i32
        %ne3A_277 = arith.cmpi ne, %rem3A_275, %ne3A_276 : i32
        %lt3A_278 = arith.constant 0 : i32
        %lt3A_279 = arith.cmpi slt, %rem3A_275, %lt3A_278 : i32
        %lt3A_280 = arith.constant 0 : i32
        %lt3A_281 = arith.cmpi slt, %select_n3A_274, %lt3A_280 : i32
        %ne3A_282 = arith.xori %lt3A_279, %lt3A_281 : i1
        %and3A_283 = arith.andi %ne3A_282, %ne3A_277 : i1
        %add3A_284 = arith.addi %rem3A_275, %select_n3A_274 : i32
        %select_n3A_285 = arith.select %and3A_283, %add3A_284, %rem3A_275 : i32
        %mul3A_286 = arith.constant 40 : i32
        %mul3A_287 = arith.muli %select_n3A_285, %mul3A_286 : i32
        "tpu.region"() ({
          %run_scoped3A = tpu.sem_alloc : memref<!tpu.dma_semaphore, #tpu.memory_space<semaphore_mem>>
          %dma_start3A_298 = arith.constant 0 : i32
          %dma_start3A_299 = tpu.memref_slice %arg2[%select_n3A_269, %dma_start3A_298] : memref<50x1024xi32, #tpu.memory_space<hbm>> -> memref<1x1024xi32, #tpu.memory_space<hbm>>
          %dma_start3A_300 = tpu.memref_squeeze %dma_start3A_299 : memref<1x1024xi32, #tpu.memory_space<hbm>> -> memref<1024xi32, #tpu.memory_space<hbm>>
          %dma_start3A_301 = arith.constant 0 : i32
          %dma_start3A_302 = tpu.memref_slice %arg2[%select_n3A_269, %dma_start3A_301] : memref<50x1024xi32, #tpu.memory_space<hbm>> -> memref<1x1024xi32, #tpu.memory_space<hbm>>
          %dma_start3A_303 = tpu.memref_squeeze %dma_start3A_302 : memref<1x1024xi32, #tpu.memory_space<hbm>> -> memref<1024xi32, #tpu.memory_space<hbm>>
          tpu.enqueue_dma source(%dma_start3A_303 : memref<1024xi32, #tpu.memory_space<hbm>>) target(%arg5 : memref<1024xi32, #tpu.memory_space<vmem>>) target_semaphore(%run_scoped3A : memref<!tpu.dma_semaphore, #tpu.memory_space<semaphore_mem>>)
          %dma_wait3A_304 = arith.constant 0 : i32
          %dma_wait3A_305 = tpu.memref_slice %arg2[%select_n3A_269, %dma_wait3A_304] : memref<50x1024xi32, #tpu.memory_space<hbm>> -> memref<1x1024xi32, #tpu.memory_space<hbm>>
          %dma_wait3A_306 = tpu.memref_squeeze %dma_wait3A_305 : memref<1x1024xi32, #tpu.memory_space<hbm>> -> memref<1024xi32, #tpu.memory_space<hbm>>
          %dma_wait3A_307 = arith.constant 0 : i32
          %dma_wait3A_308 = tpu.memref_slice %arg2[%select_n3A_269, %dma_wait3A_307] : memref<50x1024xi32, #tpu.memory_space<hbm>> -> memref<1x1024xi32, #tpu.memory_space<hbm>>
          %dma_wait3A_309 = tpu.memref_squeeze %dma_wait3A_308 : memref<1x1024xi32, #tpu.memory_space<hbm>> -> memref<1024xi32, #tpu.memory_space<hbm>>
          tpu.wait_dma2 semaphore(%run_scoped3A : memref<!tpu.dma_semaphore, #tpu.memory_space<semaphore_mem>>) src(%dma_wait3A_309 : memref<1024xi32, #tpu.memory_space<hbm>>) dst(%arg5 : memref<1024xi32, #tpu.memory_space<vmem>>)
          tpu.yield
        }) : () -> ()
        %iota3A_288 = tpu.iota {dimensions = array<i32: 0>} : vector<16xi32>
        %broadcast_in_dim3A_289 = arith.constant 0.000000e+00 : f32
        %broadcast_in_dim3A_290 = vector.broadcast %broadcast_in_dim3A_289 : f32 to vector<16xf32>
        %scan3A_291 = arith.constant 0 : i32
        %scan3A_292 = arith.constant 0 : i32
        %scan3A_293 = arith.constant 64 : i32
        %scan3A_294 = arith.addi %scan3A_292, %scan3A_293 : i32
        %scan3A_295 = arith.constant 4 : i32
        %scan3A_296 = scf.for %scan3A_298 = %scan3A_292 to %scan3A_294 step %scan3A_295 iter_args(%scan3A_299 = %scan3A_291) -> (i32)  : i32 {
          %mul3A_300 = arith.constant 16 : i32
          %mul3A_301 = arith.muli %scan3A_298, %mul3A_300 : i32
          %get3A = arith.index_cast %mul3A_301 : i32 to index
          %get3A_302 = tpu.vector_load %arg5[%get3A] {strides = array<i32>} : memref<1024xi32, #tpu.memory_space<vmem>>, vector<16xi32>,
          %sub3A_303 = vector.broadcast %mul3A_287 : i32 to vector<16xi32>
          %sub3A_304 = arith.subi %get3A_302, %sub3A_303 : vector<16xi32>
          %ge3A = arith.constant 0 : i32
          %ge3A_305 = vector.broadcast %ge3A : i32 to vector<16xi32>
          %ge3A_306 = arith.cmpi sge, %sub3A_304, %ge3A_305 : vector<16xi32>
          %lt3A_307 = arith.constant 40 : i32
          %lt3A_308 = vector.broadcast %lt3A_307 : i32 to vector<16xi32>
          %lt3A_309 = arith.cmpi slt, %sub3A_304, %lt3A_308 : vector<16xi32>
          %and3A_310 = arith.andi %ge3A_306, %lt3A_309 : vector<16xi1>
          %mul3A_311 = arith.constant 16 : i32
          %mul3A_312 = arith.muli %scan3A_298, %mul3A_311 : i32
          %add3A_313 = vector.broadcast %mul3A_312 : i32 to vector<16xi32>
          %add3A_314 = arith.addi %add3A_313, %iota3A_288 : vector<16xi32>
          %scatter3A = arith.constant 0 : i32
          %scatter3A_315 = arith.constant 0 : i32
          %scatter3A_316 = tpu.memref_slice %arg4[%cond3A, %scatter3A, %scatter3A_315] : memref<2x40x1024xf32, #tpu.memory_space<vmem>> -> memref<1x40x1024xf32, #tpu.memory_space<vmem>>
          %scatter3A_317 = tpu.memref_squeeze %scatter3A_316 : memref<1x40x1024xf32, #tpu.memory_space<vmem>> -> memref<40x1024xf32, #tpu.memory_space<vmem>>
          tpu.vector_store_idx %scatter3A_317[%sub3A_304, %add3A_314], %broadcast_in_dim3A_290 masked %and3A_310 : memref<40x1024xf32, #tpu.memory_space<vmem>>[vector<16xi32>, vector<16xi32>], vector<16xf32>, vector<16xi1>
          %scan3A_318 = arith.constant 0 : i32
          %scan3A_319 = arith.constant 1 : i32
          %scan3A_320 = arith.addi %scan3A_298, %scan3A_319 : i32
          %mul3A_321 = arith.constant 16 : i32
          %mul3A_322 = arith.muli %scan3A_320, %mul3A_321 : i32
          %get3A_323 = arith.index_cast %mul3A_322 : i32 to index
          %get3A_324 = tpu.vector_load %arg5[%get3A_323] {strides = array<i32>} : memref<1024xi32, #tpu.memory_space<vmem>>, vector<16xi32>,
          %sub3A_325 = vector.broadcast %mul3A_287 : i32 to vector<16xi32>
          %sub3A_326 = arith.subi %get3A_324, %sub3A_325 : vector<16xi32>
          %ge3A_327 = arith.constant 0 : i32
          %ge3A_328 = vector.broadcast %ge3A_327 : i32 to vector<16xi32>
          %ge3A_329 = arith.cmpi sge, %sub3A_326, %ge3A_328 : vector<16xi32>
          %lt3A_330 = arith.constant 40 : i32
          %lt3A_331 = vector.broadcast %lt3A_330 : i32 to vector<16xi32>
          %lt3A_332 = arith.cmpi slt, %sub3A_326, %lt3A_331 : vector<16xi32>
          %and3A_333 = arith.andi %ge3A_329, %lt3A_332 : vector<16xi1>
          %mul3A_334 = arith.constant 16 : i32
          %mul3A_335 = arith.muli %scan3A_320, %mul3A_334 : i32
          %add3A_336 = vector.broadcast %mul3A_335 : i32 to vector<16xi32>
          %add3A_337 = arith.addi %add3A_336, %iota3A_288 : vector<16xi32>
          %scatter3A_338 = arith.constant 0 : i32
          %scatter3A_339 = arith.constant 0 : i32
          %scatter3A_340 = tpu.memref_slice %arg4[%cond3A, %scatter3A_338, %scatter3A_339] : memref<2x40x1024xf32, #tpu.memory_space<vmem>> -> memref<1x40x1024xf32, #tpu.memory_space<vmem>>
          %scatter3A_341 = tpu.memref_squeeze %scatter3A_340 : memref<1x40x1024xf32, #tpu.memory_space<vmem>> -> memref<40x1024xf32, #tpu.memory_space<vmem>>
          tpu.vector_store_idx %scatter3A_341[%sub3A_326, %add3A_337], %broadcast_in_dim3A_290 masked %and3A_333 : memref<40x1024xf32, #tpu.memory_space<vmem>>[vector<16xi32>, vector<16xi32>], vector<16xf32>, vector<16xi1>
          %scan3A_342 = arith.constant 0 : i32
          %scan3A_343 = arith.constant 2 : i32
          %scan3A_344 = arith.addi %scan3A_298, %scan3A_343 : i32
          %mul3A_345 = arith.constant 16 : i32
          %mul3A_346 = arith.muli %scan3A_344, %mul3A_345 : i32
          %get3A_347 = arith.index_cast %mul3A_346 : i32 to index
          %get3A_348 = tpu.vector_load %arg5[%get3A_347] {strides = array<i32>} : memref<1024xi32, #tpu.memory_space<vmem>>, vector<16xi32>,
          %sub3A_349 = vector.broadcast %mul3A_287 : i32 to vector<16xi32>
          %sub3A_350 = arith.subi %get3A_348, %sub3A_349 : vector<16xi32>
          %ge3A_351 = arith.constant 0 : i32
          %ge3A_352 = vector.broadcast %ge3A_351 : i32 to vector<16xi32>
          %ge3A_353 = arith.cmpi sge, %sub3A_350, %ge3A_352 : vector<16xi32>
          %lt3A_354 = arith.constant 40 : i32
          %lt3A_355 = vector.broadcast %lt3A_354 : i32 to vector<16xi32>
          %lt3A_356 = arith.cmpi slt, %sub3A_350, %lt3A_355 : vector<16xi32>
          %and3A_357 = arith.andi %ge3A_353, %lt3A_356 : vector<16xi1>
          %mul3A_358 = arith.constant 16 : i32
          %mul3A_359 = arith.muli %scan3A_344, %mul3A_358 : i32
          %add3A_360 = vector.broadcast %mul3A_359 : i32 to vector<16xi32>
          %add3A_361 = arith.addi %add3A_360, %iota3A_288 : vector<16xi32>
          %scatter3A_362 = arith.constant 0 : i32
          %scatter3A_363 = arith.constant 0 : i32
          %scatter3A_364 = tpu.memref_slice %arg4[%cond3A, %scatter3A_362, %scatter3A_363] : memref<2x40x1024xf32, #tpu.memory_space<vmem>> -> memref<1x40x1024xf32, #tpu.memory_space<vmem>>
          %scatter3A_365 = tpu.memref_squeeze %scatter3A_364 : memref<1x40x1024xf32, #tpu.memory_space<vmem>> -> memref<40x1024xf32, #tpu.memory_space<vmem>>
          tpu.vector_store_idx %scatter3A_365[%sub3A_350, %add3A_361], %broadcast_in_dim3A_290 masked %and3A_357 : memref<40x1024xf32, #tpu.memory_space<vmem>>[vector<16xi32>, vector<16xi32>], vector<16xf32>, vector<16xi1>
          %scan3A_366 = arith.constant 0 : i32
          %scan3A_367 = arith.constant 3 : i32
          %scan3A_368 = arith.addi %scan3A_298, %scan3A_367 : i32
          %mul3A_369 = arith.constant 16 : i32
          %mul3A_370 = arith.muli %scan3A_368, %mul3A_369 : i32
          %get3A_371 = arith.index_cast %mul3A_370 : i32 to index
          %get3A_372 = tpu.vector_load %arg5[%get3A_371] {strides = array<i32>} : memref<1024xi32, #tpu.memory_space<vmem>>, vector<16xi32>,
          %sub3A_373 = vector.broadcast %mul3A_287 : i32 to vector<16xi32>
          %sub3A_374 = arith.subi %get3A_372, %sub3A_373 : vector<16xi32>
          %ge3A_375 = arith.constant 0 : i32
          %ge3A_376 = vector.broadcast %ge3A_375 : i32 to vector<16xi32>
          %ge3A_377 = arith.cmpi sge, %sub3A_374, %ge3A_376 : vector<16xi32>
          %lt3A_378 = arith.constant 40 : i32
          %lt3A_379 = vector.broadcast %lt3A_378 : i32 to vector<16xi32>
          %lt3A_380 = arith.cmpi slt, %sub3A_374, %lt3A_379 : vector<16xi32>
          %and3A_381 = arith.andi %ge3A_377, %lt3A_380 : vector<16xi1>
          %mul3A_382 = arith.constant 16 : i32
          %mul3A_383 = arith.muli %scan3A_368, %mul3A_382 : i32
          %add3A_384 = vector.broadcast %mul3A_383 : i32 to vector<16xi32>
          %add3A_385 = arith.addi %add3A_384, %iota3A_288 : vector<16xi32>
          %scatter3A_386 = arith.constant 0 : i32
          %scatter3A_387 = arith.constant 0 : i32
          %scatter3A_388 = tpu.memref_slice %arg4[%cond3A, %scatter3A_386, %scatter3A_387] : memref<2x40x1024xf32, #tpu.memory_space<vmem>> -> memref<1x40x1024xf32, #tpu.memory_space<vmem>>
          %scatter3A_389 = tpu.memref_squeeze %scatter3A_388 : memref<1x40x1024xf32, #tpu.memory_space<vmem>> -> memref<40x1024xf32, #tpu.memory_space<vmem>>
          tpu.vector_store_idx %scatter3A_389[%sub3A_374, %add3A_385], %broadcast_in_dim3A_290 masked %and3A_381 : memref<40x1024xf32, #tpu.memory_space<vmem>>[vector<16xi32>, vector<16xi32>], vector<16xf32>, vector<16xi1>
          %scan3A_390 = arith.constant 0 : i32
          scf.yield %scan3A_390 : i32
        }
        %scan3A_297 = arith.constant 64 : i32
      } else {
      }
      "tpu.region"() ({
        %run_scoped3A = tpu.sem_alloc : memref<!tpu.dma_semaphore, #tpu.memory_space<semaphore_mem>>
        %dma_start3A_215 = arith.constant 0 : i32
        %dma_start3A_216 = tpu.memref_slice %arg2[%select_n3A, %dma_start3A_215] : memref<50x1024xi32, #tpu.memory_space<hbm>> -> memref<1x1024xi32, #tpu.memory_space<hbm>>
        %dma_start3A_217 = tpu.memref_squeeze %dma_start3A_216 : memref<1x1024xi32, #tpu.memory_space<hbm>> -> memref<1024xi32, #tpu.memory_space<hbm>>
        %dma_start3A_218 = arith.constant 0 : i32
        %dma_start3A_219 = tpu.memref_slice %arg2[%select_n3A, %dma_start3A_218] : memref<50x1024xi32, #tpu.memory_space<hbm>> -> memref<1x1024xi32, #tpu.memory_space<hbm>>
        %dma_start3A_220 = tpu.memref_squeeze %dma_start3A_219 : memref<1x1024xi32, #tpu.memory_space<hbm>> -> memref<1024xi32, #tpu.memory_space<hbm>>
        tpu.enqueue_dma source(%dma_start3A_220 : memref<1024xi32, #tpu.memory_space<hbm>>) target(%arg5 : memref<1024xi32, #tpu.memory_space<vmem>>) target_semaphore(%run_scoped3A : memref<!tpu.dma_semaphore, #tpu.memory_space<semaphore_mem>>)
        %dma_wait3A_221 = arith.constant 0 : i32
        %dma_wait3A_222 = tpu.memref_slice %arg2[%select_n3A, %dma_wait3A_221] : memref<50x1024xi32, #tpu.memory_space<hbm>> -> memref<1x1024xi32, #tpu.memory_space<hbm>>
        %dma_wait3A_223 = tpu.memref_squeeze %dma_wait3A_222 : memref<1x1024xi32, #tpu.memory_space<hbm>> -> memref<1024xi32, #tpu.memory_space<hbm>>
        %dma_wait3A_224 = arith.constant 0 : i32
        %dma_wait3A_225 = tpu.memref_slice %arg2[%select_n3A, %dma_wait3A_224] : memref<50x1024xi32, #tpu.memory_space<hbm>> -> memref<1x1024xi32, #tpu.memory_space<hbm>>
        %dma_wait3A_226 = tpu.memref_squeeze %dma_wait3A_225 : memref<1x1024xi32, #tpu.memory_space<hbm>> -> memref<1024xi32, #tpu.memory_space<hbm>>
        tpu.wait_dma2 semaphore(%run_scoped3A : memref<!tpu.dma_semaphore, #tpu.memory_space<semaphore_mem>>) src(%dma_wait3A_226 : memref<1024xi32, #tpu.memory_space<hbm>>) dst(%arg5 : memref<1024xi32, #tpu.memory_space<vmem>>)
        tpu.yield
      }) : () -> ()
      %iota3A = tpu.iota {dimensions = array<i32: 0>} : vector<16xi32>
      %broadcast_in_dim3A_101 = arith.constant 1.000000e+00 : f32
      %broadcast_in_dim3A_102 = vector.broadcast %broadcast_in_dim3A_101 : f32 to vector<16xf32>
      %scan3A_103 = arith.constant 0 : i32
      %scan3A_104 = arith.constant 0 : i32
      %scan3A_105 = arith.constant 0 : i32
      %scan3A_106 = arith.constant 64 : i32
      %scan3A_107 = arith.addi %scan3A_105, %scan3A_106 : i32
      %scan3A_108 = arith.constant 4 : i32
      %scan3A_109 = scf.for %scan3A_215 = %scan3A_105 to %scan3A_107 step %scan3A_108 iter_args(%scan3A_216 = %scan3A_104) -> (i32)  : i32 {
        %mul3A_217 = arith.constant 16 : i32
        %mul3A_218 = arith.muli %scan3A_215, %mul3A_217 : i32
        %get3A = arith.index_cast %mul3A_218 : i32 to index
        %get3A_219 = tpu.vector_load %arg5[%get3A] {strides = array<i32>} : memref<1024xi32, #tpu.memory_space<vmem>>, vector<16xi32>,
        %sub3A_220 = vector.broadcast %mul3A_97 : i32 to vector<16xi32>
        %sub3A_221 = arith.subi %get3A_219, %sub3A_220 : vector<16xi32>
        %ge3A = arith.constant 0 : i32
        %ge3A_222 = vector.broadcast %ge3A : i32 to vector<16xi32>
        %ge3A_223 = arith.cmpi sge, %sub3A_221, %ge3A_222 : vector<16xi32>
        %lt3A_224 = arith.constant 40 : i32
        %lt3A_225 = vector.broadcast %lt3A_224 : i32 to vector<16xi32>
        %lt3A_226 = arith.cmpi slt, %sub3A_221, %lt3A_225 : vector<16xi32>
        %and3A_227 = arith.andi %ge3A_223, %lt3A_226 : vector<16xi1>
        %mul3A_228 = arith.constant 16 : i32
        %mul3A_229 = arith.muli %scan3A_215, %mul3A_228 : i32
        %add3A_230 = vector.broadcast %mul3A_229 : i32 to vector<16xi32>
        %add3A_231 = arith.addi %add3A_230, %iota3A : vector<16xi32>
        %scatter3A = arith.constant 0 : i32
        %scatter3A_232 = arith.constant 0 : i32
        %scatter3A_233 = tpu.memref_slice %arg4[%scan3A_103, %scatter3A, %scatter3A_232] : memref<2x40x1024xf32, #tpu.memory_space<vmem>> -> memref<1x40x1024xf32, #tpu.memory_space<vmem>>
        %scatter3A_234 = tpu.memref_squeeze %scatter3A_233 : memref<1x40x1024xf32, #tpu.memory_space<vmem>> -> memref<40x1024xf32, #tpu.memory_space<vmem>>
        tpu.vector_store_idx %scatter3A_234[%sub3A_221, %add3A_231], %broadcast_in_dim3A_102 masked %and3A_227 : memref<40x1024xf32, #tpu.memory_space<vmem>>[vector<16xi32>, vector<16xi32>], vector<16xf32>, vector<16xi1>
        %scan3A_235 = arith.constant 0 : i32
        %scan3A_236 = arith.constant 1 : i32
        %scan3A_237 = arith.addi %scan3A_215, %scan3A_236 : i32
        %mul3A_238 = arith.constant 16 : i32
        %mul3A_239 = arith.muli %scan3A_237, %mul3A_238 : i32
        %get3A_240 = arith.index_cast %mul3A_239 : i32 to index
        %get3A_241 = tpu.vector_load %arg5[%get3A_240] {strides = array<i32>} : memref<1024xi32, #tpu.memory_space<vmem>>, vector<16xi32>,
        %sub3A_242 = vector.broadcast %mul3A_97 : i32 to vector<16xi32>
        %sub3A_243 = arith.subi %get3A_241, %sub3A_242 : vector<16xi32>
        %ge3A_244 = arith.constant 0 : i32
        %ge3A_245 = vector.broadcast %ge3A_244 : i32 to vector<16xi32>
        %ge3A_246 = arith.cmpi sge, %sub3A_243, %ge3A_245 : vector<16xi32>
        %lt3A_247 = arith.constant 40 : i32
        %lt3A_248 = vector.broadcast %lt3A_247 : i32 to vector<16xi32>
        %lt3A_249 = arith.cmpi slt, %sub3A_243, %lt3A_248 : vector<16xi32>
        %and3A_250 = arith.andi %ge3A_246, %lt3A_249 : vector<16xi1>
        %mul3A_251 = arith.constant 16 : i32
        %mul3A_252 = arith.muli %scan3A_237, %mul3A_251 : i32
        %add3A_253 = vector.broadcast %mul3A_252 : i32 to vector<16xi32>
        %add3A_254 = arith.addi %add3A_253, %iota3A : vector<16xi32>
        %scatter3A_255 = arith.constant 0 : i32
        %scatter3A_256 = arith.constant 0 : i32
        %scatter3A_257 = tpu.memref_slice %arg4[%scan3A_103, %scatter3A_255, %scatter3A_256] : memref<2x40x1024xf32, #tpu.memory_space<vmem>> -> memref<1x40x1024xf32, #tpu.memory_space<vmem>>
        %scatter3A_258 = tpu.memref_squeeze %scatter3A_257 : memref<1x40x1024xf32, #tpu.memory_space<vmem>> -> memref<40x1024xf32, #tpu.memory_space<vmem>>
        tpu.vector_store_idx %scatter3A_258[%sub3A_243, %add3A_254], %broadcast_in_dim3A_102 masked %and3A_250 : memref<40x1024xf32, #tpu.memory_space<vmem>>[vector<16xi32>, vector<16xi32>], vector<16xf32>, vector<16xi1>
        %scan3A_259 = arith.constant 0 : i32
        %scan3A_260 = arith.constant 2 : i32
        %scan3A_261 = arith.addi %scan3A_215, %scan3A_260 : i32
        %mul3A_262 = arith.constant 16 : i32
        %mul3A_263 = arith.muli %scan3A_261, %mul3A_262 : i32
        %get3A_264 = arith.index_cast %mul3A_263 : i32 to index
        %get3A_265 = tpu.vector_load %arg5[%get3A_264] {strides = array<i32>} : memref<1024xi32, #tpu.memory_space<vmem>>, vector<16xi32>,
        %sub3A_266 = vector.broadcast %mul3A_97 : i32 to vector<16xi32>
        %sub3A_267 = arith.subi %get3A_265, %sub3A_266 : vector<16xi32>
        %ge3A_268 = arith.constant 0 : i32
        %ge3A_269 = vector.broadcast %ge3A_268 : i32 to vector<16xi32>
        %ge3A_270 = arith.cmpi sge, %sub3A_267, %ge3A_269 : vector<16xi32>
        %lt3A_271 = arith.constant 40 : i32
        %lt3A_272 = vector.broadcast %lt3A_271 : i32 to vector<16xi32>
        %lt3A_273 = arith.cmpi slt, %sub3A_267, %lt3A_272 : vector<16xi32>
        %and3A_274 = arith.andi %ge3A_270, %lt3A_273 : vector<16xi1>
        %mul3A_275 = arith.constant 16 : i32
        %mul3A_276 = arith.muli %scan3A_261, %mul3A_275 : i32
        %add3A_277 = vector.broadcast %mul3A_276 : i32 to vector<16xi32>
        %add3A_278 = arith.addi %add3A_277, %iota3A : vector<16xi32>
        %scatter3A_279 = arith.constant 0 : i32
        %scatter3A_280 = arith.constant 0 : i32
        %scatter3A_281 = tpu.memref_slice %arg4[%scan3A_103, %scatter3A_279, %scatter3A_280] : memref<2x40x1024xf32, #tpu.memory_space<vmem>> -> memref<1x40x1024xf32, #tpu.memory_space<vmem>>
        %scatter3A_282 = tpu.memref_squeeze %scatter3A_281 : memref<1x40x1024xf32, #tpu.memory_space<vmem>> -> memref<40x1024xf32, #tpu.memory_space<vmem>>
        tpu.vector_store_idx %scatter3A_282[%sub3A_267, %add3A_278], %broadcast_in_dim3A_102 masked %and3A_274 : memref<40x1024xf32, #tpu.memory_space<vmem>>[vector<16xi32>, vector<16xi32>], vector<16xf32>, vector<16xi1>
        %scan3A_283 = arith.constant 0 : i32
        %scan3A_284 = arith.constant 3 : i32
        %scan3A_285 = arith.addi %scan3A_215, %scan3A_284 : i32
        %mul3A_286 = arith.constant 16 : i32
        %mul3A_287 = arith.muli %scan3A_285, %mul3A_286 : i32
        %get3A_288 = arith.index_cast %mul3A_287 : i32 to index
        %get3A_289 = tpu.vector_load %arg5[%get3A_288] {strides = array<i32>} : memref<1024xi32, #tpu.memory_space<vmem>>, vector<16xi32>,
        %sub3A_290 = vector.broadcast %mul3A_97 : i32 to vector<16xi32>
        %sub3A_291 = arith.subi %get3A_289, %sub3A_290 : vector<16xi32>
        %ge3A_292 = arith.constant 0 : i32
        %ge3A_293 = vector.broadcast %ge3A_292 : i32 to vector<16xi32>
        %ge3A_294 = arith.cmpi sge, %sub3A_291, %ge3A_293 : vector<16xi32>
        %lt3A_295 = arith.constant 40 : i32
        %lt3A_296 = vector.broadcast %lt3A_295 : i32 to vector<16xi32>
        %lt3A_297 = arith.cmpi slt, %sub3A_291, %lt3A_296 : vector<16xi32>
        %and3A_298 = arith.andi %ge3A_294, %lt3A_297 : vector<16xi1>
        %mul3A_299 = arith.constant 16 : i32
        %mul3A_300 = arith.muli %scan3A_285, %mul3A_299 : i32
        %add3A_301 = vector.broadcast %mul3A_300 : i32 to vector<16xi32>
        %add3A_302 = arith.addi %add3A_301, %iota3A : vector<16xi32>
        %scatter3A_303 = arith.constant 0 : i32
        %scatter3A_304 = arith.constant 0 : i32
        %scatter3A_305 = tpu.memref_slice %arg4[%scan3A_103, %scatter3A_303, %scatter3A_304] : memref<2x40x1024xf32, #tpu.memory_space<vmem>> -> memref<1x40x1024xf32, #tpu.memory_space<vmem>>
        %scatter3A_306 = tpu.memref_squeeze %scatter3A_305 : memref<1x40x1024xf32, #tpu.memory_space<vmem>> -> memref<40x1024xf32, #tpu.memory_space<vmem>>
        tpu.vector_store_idx %scatter3A_306[%sub3A_291, %add3A_302], %broadcast_in_dim3A_102 masked %and3A_298 : memref<40x1024xf32, #tpu.memory_space<vmem>>[vector<16xi32>, vector<16xi32>], vector<16xf32>, vector<16xi1>
        %scan3A_307 = arith.constant 0 : i32
        scf.yield %scan3A_307 : i32
      }
      %scan3A_110 = arith.constant 64 : i32
      %dma_start3A = arith.constant 0 : i32
      %dma_start3A_111 = arith.constant 0 : i32
      %dma_start3A_112 = arith.constant 0 : i32
      %dma_start3A_113 = arith.constant 0 : i32
      %dma_start3A_114 = tpu.memref_slice %arg4[%dma_start3A, %dma_start3A_112, %dma_start3A_113] : memref<2x40x1024xf32, #tpu.memory_space<vmem>> -> memref<1x40x1024xf32, #tpu.memory_space<vmem>>
      %dma_start3A_115 = tpu.memref_squeeze %dma_start3A_114 : memref<1x40x1024xf32, #tpu.memory_space<vmem>> -> memref<40x1024xf32, #tpu.memory_space<vmem>>
      %dma_start3A_116 = arith.constant 0 : i32
      %dma_start3A_117 = tpu.memref_slice %arg3[%select_n3A, %mul3A_97, %dma_start3A_116] : memref<50x1000x1024xf32, #tpu.memory_space<hbm>> -> memref<1x40x1024xf32, #tpu.memory_space<hbm>>
      %dma_start3A_118 = tpu.memref_squeeze %dma_start3A_117 : memref<1x40x1024xf32, #tpu.memory_space<hbm>> -> memref<40x1024xf32, #tpu.memory_space<hbm>>
      %dma_start3A_119 = tpu.memref_slice %arg6[%dma_start3A_111] : memref<2x!tpu.dma_semaphore, #tpu.memory_space<semaphore_mem>> -> memref<1x!tpu.dma_semaphore, #tpu.memory_space<semaphore_mem>>
      %dma_start3A_120 = tpu.memref_squeeze %dma_start3A_119 : memref<1x!tpu.dma_semaphore, #tpu.memory_space<semaphore_mem>> -> memref<!tpu.dma_semaphore, #tpu.memory_space<semaphore_mem>>
      %dma_start3A_121 = arith.constant 0 : i32
      %dma_start3A_122 = tpu.memref_slice %arg3[%select_n3A, %mul3A_97, %dma_start3A_121] : memref<50x1000x1024xf32, #tpu.memory_space<hbm>> -> memref<1x40x1024xf32, #tpu.memory_space<hbm>>
      %dma_start3A_123 = tpu.memref_squeeze %dma_start3A_122 : memref<1x40x1024xf32, #tpu.memory_space<hbm>> -> memref<40x1024xf32, #tpu.memory_space<hbm>>
      %dma_start3A_124 = arith.constant 0 : i32
      %dma_start3A_125 = arith.constant 0 : i32
      %dma_start3A_126 = tpu.memref_slice %arg4[%dma_start3A, %dma_start3A_124, %dma_start3A_125] : memref<2x40x1024xf32, #tpu.memory_space<vmem>> -> memref<1x40x1024xf32, #tpu.memory_space<vmem>>
      %dma_start3A_127 = tpu.memref_squeeze %dma_start3A_126 : memref<1x40x1024xf32, #tpu.memory_space<vmem>> -> memref<40x1024xf32, #tpu.memory_space<vmem>>
      tpu.enqueue_dma source(%dma_start3A_127 : memref<40x1024xf32, #tpu.memory_space<vmem>>) target(%dma_start3A_123 : memref<40x1024xf32, #tpu.memory_space<hbm>>) target_semaphore(%dma_start3A_120 : memref<!tpu.dma_semaphore, #tpu.memory_space<semaphore_mem>>)
      %mul3A_128 = arith.constant 2 : i32
      %mul3A_129 = arith.muli %scan3A_56, %mul3A_128 : i32
      %add3A_130 = arith.constant 1 : i32
      %add3A_131 = arith.addi %mul3A_129, %add3A_130 : i32
      %mul3A_132 = arith.constant 32 : i32
      %mul3A_133 = arith.muli %add3A_131, %mul3A_132 : i32
      %add3A_134 = arith.addi %add3A, %mul3A_133 : i32
      %min3A_135 = arith.constant 1249 : i32
      %min3A_136 = arith.minsi %add3A_134, %min3A_135 : i32
      %jit3A_137 = arith.constant 25 : i32
      %div3A_138 = arith.divsi %min3A_136, %jit3A_137 : i32
      %sign3A_139 = arith.constant 0 : i32
      %sign3A_140 = arith.cmpi sgt, %min3A_136, %sign3A_139 : i32
      %sign3A_141 = arith.extui %sign3A_140 : i1 to i32
      %sign3A_142 = arith.constant 0 : i32
      %sign3A_143 = arith.cmpi slt, %min3A_136, %sign3A_142 : i32
      %sign3A_144 = arith.extui %sign3A_143 : i1 to i32
      %sign3A_145 = arith.subi %sign3A_141, %sign3A_144 : i32
      %sign3A_146 = arith.constant 0 : i32
      %sign3A_147 = arith.cmpi sgt, %jit3A_137, %sign3A_146 : i32
      %sign3A_148 = arith.extui %sign3A_147 : i1 to i32
      %sign3A_149 = arith.constant 0 : i32
      %sign3A_150 = arith.cmpi slt, %jit3A_137, %sign3A_149 : i32
      %sign3A_151 = arith.extui %sign3A_150 : i1 to i32
      %sign3A_152 = arith.subi %sign3A_148, %sign3A_151 : i32
      %ne3A_153 = arith.cmpi ne, %sign3A_145, %sign3A_152 : i32
      %rem3A_154 = arith.remsi %min3A_136, %jit3A_137 : i32
      %ne3A_155 = arith.constant 0 : i32
      %ne3A_156 = arith.cmpi ne, %rem3A_154, %ne3A_155 : i32
      %and3A_157 = arith.andi %ne3A_153, %ne3A_156 : i1
      %sub3A_158 = arith.constant 1 : i32
      %sub3A_159 = arith.subi %div3A_138, %sub3A_158 : i32
      %select_n3A_160 = arith.select %and3A_157, %sub3A_159, %div3A_138 : i32
      %jit3A_161 = arith.constant 25 : i32
      %eq3A_162 = arith.constant 0 : i32
      %eq3A_163 = arith.cmpi eq, %jit3A_161, %eq3A_162 : i32
      %jit3A_164 = arith.constant 1 : i32
      %select_n3A_165 = arith.select %eq3A_163, %jit3A_164, %jit3A_161 : i32
      %rem3A_166 = arith.remsi %min3A_136, %select_n3A_165 : i32
      %ne3A_167 = arith.constant 0 : i32
      %ne3A_168 = arith.cmpi ne, %rem3A_166, %ne3A_167 : i32
      %lt3A_169 = arith.constant 0 : i32
      %lt3A_170 = arith.cmpi slt, %rem3A_166, %lt3A_169 : i32
      %lt3A_171 = arith.constant 0 : i32
      %lt3A_172 = arith.cmpi slt, %select_n3A_165, %lt3A_171 : i32
      %ne3A_173 = arith.xori %lt3A_170, %lt3A_172 : i1
      %and3A_174 = arith.andi %ne3A_173, %ne3A_168 : i1
      %add3A_175 = arith.addi %rem3A_166, %select_n3A_165 : i32
      %select_n3A_176 = arith.select %and3A_174, %add3A_175, %rem3A_166 : i32
      %mul3A_177 = arith.constant 40 : i32
      %mul3A_178 = arith.muli %select_n3A_176, %mul3A_177 : i32
      %gt3A_179 = arith.constant 0 : i32
      %gt3A_180 = arith.cmpi sgt, %scan3A_56, %gt3A_179 : i32
      %convert_element_type3A_181 = arith.extui %gt3A_180 : i1 to i32
      %cond3A_182 = arith.constant 1 : i32
      %cond3A_183 = arith.constant 0 : i32
      %cond3A_184 = arith.cmpi ne, %convert_element_type3A_181, %cond3A_183 : i32
      scf.if %cond3A_184 {
        %dma_wait3A_215 = arith.constant 0 : i32
        %dma_wait3A_216 = arith.constant 1 : i32
        %dma_wait3A_217 = arith.constant 0 : i32
        %dma_wait3A_218 = arith.constant 0 : i32
        %dma_wait3A_219 = tpu.memref_slice %arg4[%cond3A_182, %dma_wait3A_217, %dma_wait3A_218] : memref<2x40x1024xf32, #tpu.memory_space<vmem>> -> memref<1x40x1024xf32, #tpu.memory_space<vmem>>
        %dma_wait3A_220 = tpu.memref_squeeze %dma_wait3A_219 : memref<1x40x1024xf32, #tpu.memory_space<vmem>> -> memref<40x1024xf32, #tpu.memory_space<vmem>>
        %dma_wait3A_221 = arith.constant 0 : i32
        %dma_wait3A_222 = arith.constant 0 : i32
        %dma_wait3A_223 = tpu.memref_slice %arg3[%dma_wait3A_215, %dma_wait3A_221, %dma_wait3A_222] : memref<50x1000x1024xf32, #tpu.memory_space<hbm>> -> memref<1x40x1024xf32, #tpu.memory_space<hbm>>
        %dma_wait3A_224 = tpu.memref_squeeze %dma_wait3A_223 : memref<1x40x1024xf32, #tpu.memory_space<hbm>> -> memref<40x1024xf32, #tpu.memory_space<hbm>>
        %dma_wait3A_225 = tpu.memref_slice %arg6[%dma_wait3A_216] : memref<2x!tpu.dma_semaphore, #tpu.memory_space<semaphore_mem>> -> memref<1x!tpu.dma_semaphore, #tpu.memory_space<semaphore_mem>>
        %dma_wait3A_226 = tpu.memref_squeeze %dma_wait3A_225 : memref<1x!tpu.dma_semaphore, #tpu.memory_space<semaphore_mem>> -> memref<!tpu.dma_semaphore, #tpu.memory_space<semaphore_mem>>
        %dma_wait3A_227 = arith.constant 0 : i32
        %dma_wait3A_228 = arith.constant 0 : i32
        %dma_wait3A_229 = tpu.memref_slice %arg3[%dma_wait3A_215, %dma_wait3A_227, %dma_wait3A_228] : memref<50x1000x1024xf32, #tpu.memory_space<hbm>> -> memref<1x40x1024xf32, #tpu.memory_space<hbm>>
        %dma_wait3A_230 = tpu.memref_squeeze %dma_wait3A_229 : memref<1x40x1024xf32, #tpu.memory_space<hbm>> -> memref<40x1024xf32, #tpu.memory_space<hbm>>
        %dma_wait3A_231 = arith.constant 0 : i32
        %dma_wait3A_232 = arith.constant 0 : i32
        %dma_wait3A_233 = tpu.memref_slice %arg4[%cond3A_182, %dma_wait3A_231, %dma_wait3A_232] : memref<2x40x1024xf32, #tpu.memory_space<vmem>> -> memref<1x40x1024xf32, #tpu.memory_space<vmem>>
        %dma_wait3A_234 = tpu.memref_squeeze %dma_wait3A_233 : memref<1x40x1024xf32, #tpu.memory_space<vmem>> -> memref<40x1024xf32, #tpu.memory_space<vmem>>
        tpu.wait_dma2 semaphore(%dma_wait3A_226 : memref<!tpu.dma_semaphore, #tpu.memory_space<semaphore_mem>>) src(%dma_wait3A_234 : memref<40x1024xf32, #tpu.memory_space<vmem>>) dst(%dma_wait3A_230 : memref<40x1024xf32, #tpu.memory_space<hbm>>)
        %sub3A_235 = arith.constant 1 : i32
        %sub3A_236 = arith.subi %scan3A_56, %sub3A_235 : i32
        %mul3A_237 = arith.constant 2 : i32
        %mul3A_238 = arith.muli %sub3A_236, %mul3A_237 : i32
        %add3A_239 = arith.constant 1 : i32
        %add3A_240 = arith.addi %mul3A_238, %add3A_239 : i32
        %mul3A_241 = arith.constant 32 : i32
        %mul3A_242 = arith.muli %add3A_240, %mul3A_241 : i32
        %add3A_243 = arith.addi %add3A, %mul3A_242 : i32
        %min3A_244 = arith.constant 1249 : i32
        %min3A_245 = arith.minsi %add3A_243, %min3A_244 : i32
        %jit3A_246 = arith.constant 25 : i32
        %div3A_247 = arith.divsi %min3A_245, %jit3A_246 : i32
        %sign3A_248 = arith.constant 0 : i32
        %sign3A_249 = arith.cmpi sgt, %min3A_245, %sign3A_248 : i32
        %sign3A_250 = arith.extui %sign3A_249 : i1 to i32
        %sign3A_251 = arith.constant 0 : i32
        %sign3A_252 = arith.cmpi slt, %min3A_245, %sign3A_251 : i32
        %sign3A_253 = arith.extui %sign3A_252 : i1 to i32
        %sign3A_254 = arith.subi %sign3A_250, %sign3A_253 : i32
        %sign3A_255 = arith.constant 0 : i32
        %sign3A_256 = arith.cmpi sgt, %jit3A_246, %sign3A_255 : i32
        %sign3A_257 = arith.extui %sign3A_256 : i1 to i32
        %sign3A_258 = arith.constant 0 : i32
        %sign3A_259 = arith.cmpi slt, %jit3A_246, %sign3A_258 : i32
        %sign3A_260 = arith.extui %sign3A_259 : i1 to i32
        %sign3A_261 = arith.subi %sign3A_257, %sign3A_260 : i32
        %ne3A_262 = arith.cmpi ne, %sign3A_254, %sign3A_261 : i32
        %rem3A_263 = arith.remsi %min3A_245, %jit3A_246 : i32
        %ne3A_264 = arith.constant 0 : i32
        %ne3A_265 = arith.cmpi ne, %rem3A_263, %ne3A_264 : i32
        %and3A_266 = arith.andi %ne3A_262, %ne3A_265 : i1
        %sub3A_267 = arith.constant 1 : i32
        %sub3A_268 = arith.subi %div3A_247, %sub3A_267 : i32
        %select_n3A_269 = arith.select %and3A_266, %sub3A_268, %div3A_247 : i32
        %jit3A_270 = arith.constant 25 : i32
        %eq3A_271 = arith.constant 0 : i32
        %eq3A_272 = arith.cmpi eq, %jit3A_270, %eq3A_271 : i32
        %jit3A_273 = arith.constant 1 : i32
        %select_n3A_274 = arith.select %eq3A_272, %jit3A_273, %jit3A_270 : i32
        %rem3A_275 = arith.remsi %min3A_245, %select_n3A_274 : i32
        %ne3A_276 = arith.constant 0 : i32
        %ne3A_277 = arith.cmpi ne, %rem3A_275, %ne3A_276 : i32
        %lt3A_278 = arith.constant 0 : i32
        %lt3A_279 = arith.cmpi slt, %rem3A_275, %lt3A_278 : i32
        %lt3A_280 = arith.constant 0 : i32
        %lt3A_281 = arith.cmpi slt, %select_n3A_274, %lt3A_280 : i32
        %ne3A_282 = arith.xori %lt3A_279, %lt3A_281 : i1
        %and3A_283 = arith.andi %ne3A_282, %ne3A_277 : i1
        %add3A_284 = arith.addi %rem3A_275, %select_n3A_274 : i32
        %select_n3A_285 = arith.select %and3A_283, %add3A_284, %rem3A_275 : i32
        %mul3A_286 = arith.constant 40 : i32
        %mul3A_287 = arith.muli %select_n3A_285, %mul3A_286 : i32
        "tpu.region"() ({
          %run_scoped3A = tpu.sem_alloc : memref<!tpu.dma_semaphore, #tpu.memory_space<semaphore_mem>>
          %dma_start3A_298 = arith.constant 0 : i32
          %dma_start3A_299 = tpu.memref_slice %arg2[%select_n3A_269, %dma_start3A_298] : memref<50x1024xi32, #tpu.memory_space<hbm>> -> memref<1x1024xi32, #tpu.memory_space<hbm>>
          %dma_start3A_300 = tpu.memref_squeeze %dma_start3A_299 : memref<1x1024xi32, #tpu.memory_space<hbm>> -> memref<1024xi32, #tpu.memory_space<hbm>>
          %dma_start3A_301 = arith.constant 0 : i32
          %dma_start3A_302 = tpu.memref_slice %arg2[%select_n3A_269, %dma_start3A_301] : memref<50x1024xi32, #tpu.memory_space<hbm>> -> memref<1x1024xi32, #tpu.memory_space<hbm>>
          %dma_start3A_303 = tpu.memref_squeeze %dma_start3A_302 : memref<1x1024xi32, #tpu.memory_space<hbm>> -> memref<1024xi32, #tpu.memory_space<hbm>>
          tpu.enqueue_dma source(%dma_start3A_303 : memref<1024xi32, #tpu.memory_space<hbm>>) target(%arg5 : memref<1024xi32, #tpu.memory_space<vmem>>) target_semaphore(%run_scoped3A : memref<!tpu.dma_semaphore, #tpu.memory_space<semaphore_mem>>)
          %dma_wait3A_304 = arith.constant 0 : i32
          %dma_wait3A_305 = tpu.memref_slice %arg2[%select_n3A_269, %dma_wait3A_304] : memref<50x1024xi32, #tpu.memory_space<hbm>> -> memref<1x1024xi32, #tpu.memory_space<hbm>>
          %dma_wait3A_306 = tpu.memref_squeeze %dma_wait3A_305 : memref<1x1024xi32, #tpu.memory_space<hbm>> -> memref<1024xi32, #tpu.memory_space<hbm>>
          %dma_wait3A_307 = arith.constant 0 : i32
          %dma_wait3A_308 = tpu.memref_slice %arg2[%select_n3A_269, %dma_wait3A_307] : memref<50x1024xi32, #tpu.memory_space<hbm>> -> memref<1x1024xi32, #tpu.memory_space<hbm>>
          %dma_wait3A_309 = tpu.memref_squeeze %dma_wait3A_308 : memref<1x1024xi32, #tpu.memory_space<hbm>> -> memref<1024xi32, #tpu.memory_space<hbm>>
          tpu.wait_dma2 semaphore(%run_scoped3A : memref<!tpu.dma_semaphore, #tpu.memory_space<semaphore_mem>>) src(%dma_wait3A_309 : memref<1024xi32, #tpu.memory_space<hbm>>) dst(%arg5 : memref<1024xi32, #tpu.memory_space<vmem>>)
          tpu.yield
        }) : () -> ()
        %iota3A_288 = tpu.iota {dimensions = array<i32: 0>} : vector<16xi32>
        %broadcast_in_dim3A_289 = arith.constant 0.000000e+00 : f32
        %broadcast_in_dim3A_290 = vector.broadcast %broadcast_in_dim3A_289 : f32 to vector<16xf32>
        %scan3A_291 = arith.constant 0 : i32
        %scan3A_292 = arith.constant 0 : i32
        %scan3A_293 = arith.constant 64 : i32
        %scan3A_294 = arith.addi %scan3A_292, %scan3A_293 : i32
        %scan3A_295 = arith.constant 4 : i32
        %scan3A_296 = scf.for %scan3A_298 = %scan3A_292 to %scan3A_294 step %scan3A_295 iter_args(%scan3A_299 = %scan3A_291) -> (i32)  : i32 {
          %mul3A_300 = arith.constant 16 : i32
          %mul3A_301 = arith.muli %scan3A_298, %mul3A_300 : i32
          %get3A = arith.index_cast %mul3A_301 : i32 to index
          %get3A_302 = tpu.vector_load %arg5[%get3A] {strides = array<i32>} : memref<1024xi32, #tpu.memory_space<vmem>>, vector<16xi32>,
          %sub3A_303 = vector.broadcast %mul3A_287 : i32 to vector<16xi32>
          %sub3A_304 = arith.subi %get3A_302, %sub3A_303 : vector<16xi32>
          %ge3A = arith.constant 0 : i32
          %ge3A_305 = vector.broadcast %ge3A : i32 to vector<16xi32>
          %ge3A_306 = arith.cmpi sge, %sub3A_304, %ge3A_305 : vector<16xi32>
          %lt3A_307 = arith.constant 40 : i32
          %lt3A_308 = vector.broadcast %lt3A_307 : i32 to vector<16xi32>
          %lt3A_309 = arith.cmpi slt, %sub3A_304, %lt3A_308 : vector<16xi32>
          %and3A_310 = arith.andi %ge3A_306, %lt3A_309 : vector<16xi1>
          %mul3A_311 = arith.constant 16 : i32
          %mul3A_312 = arith.muli %scan3A_298, %mul3A_311 : i32
          %add3A_313 = vector.broadcast %mul3A_312 : i32 to vector<16xi32>
          %add3A_314 = arith.addi %add3A_313, %iota3A_288 : vector<16xi32>
          %scatter3A = arith.constant 0 : i32
          %scatter3A_315 = arith.constant 0 : i32
          %scatter3A_316 = tpu.memref_slice %arg4[%cond3A_182, %scatter3A, %scatter3A_315] : memref<2x40x1024xf32, #tpu.memory_space<vmem>> -> memref<1x40x1024xf32, #tpu.memory_space<vmem>>
          %scatter3A_317 = tpu.memref_squeeze %scatter3A_316 : memref<1x40x1024xf32, #tpu.memory_space<vmem>> -> memref<40x1024xf32, #tpu.memory_space<vmem>>
          tpu.vector_store_idx %scatter3A_317[%sub3A_304, %add3A_314], %broadcast_in_dim3A_290 masked %and3A_310 : memref<40x1024xf32, #tpu.memory_space<vmem>>[vector<16xi32>, vector<16xi32>], vector<16xf32>, vector<16xi1>
          %scan3A_318 = arith.constant 0 : i32
          %scan3A_319 = arith.constant 1 : i32
          %scan3A_320 = arith.addi %scan3A_298, %scan3A_319 : i32
          %mul3A_321 = arith.constant 16 : i32
          %mul3A_322 = arith.muli %scan3A_320, %mul3A_321 : i32
          %get3A_323 = arith.index_cast %mul3A_322 : i32 to index
          %get3A_324 = tpu.vector_load %arg5[%get3A_323] {strides = array<i32>} : memref<1024xi32, #tpu.memory_space<vmem>>, vector<16xi32>,
          %sub3A_325 = vector.broadcast %mul3A_287 : i32 to vector<16xi32>
          %sub3A_326 = arith.subi %get3A_324, %sub3A_325 : vector<16xi32>
          %ge3A_327 = arith.constant 0 : i32
          %ge3A_328 = vector.broadcast %ge3A_327 : i32 to vector<16xi32>
          %ge3A_329 = arith.cmpi sge, %sub3A_326, %ge3A_328 : vector<16xi32>
          %lt3A_330 = arith.constant 40 : i32
          %lt3A_331 = vector.broadcast %lt3A_330 : i32 to vector<16xi32>
          %lt3A_332 = arith.cmpi slt, %sub3A_326, %lt3A_331 : vector<16xi32>
          %and3A_333 = arith.andi %ge3A_329, %lt3A_332 : vector<16xi1>
          %mul3A_334 = arith.constant 16 : i32
          %mul3A_335 = arith.muli %scan3A_320, %mul3A_334 : i32
          %add3A_336 = vector.broadcast %mul3A_335 : i32 to vector<16xi32>
          %add3A_337 = arith.addi %add3A_336, %iota3A_288 : vector<16xi32>
          %scatter3A_338 = arith.constant 0 : i32
          %scatter3A_339 = arith.constant 0 : i32
          %scatter3A_340 = tpu.memref_slice %arg4[%cond3A_182, %scatter3A_338, %scatter3A_339] : memref<2x40x1024xf32, #tpu.memory_space<vmem>> -> memref<1x40x1024xf32, #tpu.memory_space<vmem>>
          %scatter3A_341 = tpu.memref_squeeze %scatter3A_340 : memref<1x40x1024xf32, #tpu.memory_space<vmem>> -> memref<40x1024xf32, #tpu.memory_space<vmem>>
          tpu.vector_store_idx %scatter3A_341[%sub3A_326, %add3A_337], %broadcast_in_dim3A_290 masked %and3A_333 : memref<40x1024xf32, #tpu.memory_space<vmem>>[vector<16xi32>, vector<16xi32>], vector<16xf32>, vector<16xi1>
          %scan3A_342 = arith.constant 0 : i32
          %scan3A_343 = arith.constant 2 : i32
          %scan3A_344 = arith.addi %scan3A_298, %scan3A_343 : i32
          %mul3A_345 = arith.constant 16 : i32
          %mul3A_346 = arith.muli %scan3A_344, %mul3A_345 : i32
          %get3A_347 = arith.index_cast %mul3A_346 : i32 to index
          %get3A_348 = tpu.vector_load %arg5[%get3A_347] {strides = array<i32>} : memref<1024xi32, #tpu.memory_space<vmem>>, vector<16xi32>,
          %sub3A_349 = vector.broadcast %mul3A_287 : i32 to vector<16xi32>
          %sub3A_350 = arith.subi %get3A_348, %sub3A_349 : vector<16xi32>
          %ge3A_351 = arith.constant 0 : i32
          %ge3A_352 = vector.broadcast %ge3A_351 : i32 to vector<16xi32>
          %ge3A_353 = arith.cmpi sge, %sub3A_350, %ge3A_352 : vector<16xi32>
          %lt3A_354 = arith.constant 40 : i32
          %lt3A_355 = vector.broadcast %lt3A_354 : i32 to vector<16xi32>
          %lt3A_356 = arith.cmpi slt, %sub3A_350, %lt3A_355 : vector<16xi32>
          %and3A_357 = arith.andi %ge3A_353, %lt3A_356 : vector<16xi1>
          %mul3A_358 = arith.constant 16 : i32
          %mul3A_359 = arith.muli %scan3A_344, %mul3A_358 : i32
          %add3A_360 = vector.broadcast %mul3A_359 : i32 to vector<16xi32>
          %add3A_361 = arith.addi %add3A_360, %iota3A_288 : vector<16xi32>
          %scatter3A_362 = arith.constant 0 : i32
          %scatter3A_363 = arith.constant 0 : i32
          %scatter3A_364 = tpu.memref_slice %arg4[%cond3A_182, %scatter3A_362, %scatter3A_363] : memref<2x40x1024xf32, #tpu.memory_space<vmem>> -> memref<1x40x1024xf32, #tpu.memory_space<vmem>>
          %scatter3A_365 = tpu.memref_squeeze %scatter3A_364 : memref<1x40x1024xf32, #tpu.memory_space<vmem>> -> memref<40x1024xf32, #tpu.memory_space<vmem>>
          tpu.vector_store_idx %scatter3A_365[%sub3A_350, %add3A_361], %broadcast_in_dim3A_290 masked %and3A_357 : memref<40x1024xf32, #tpu.memory_space<vmem>>[vector<16xi32>, vector<16xi32>], vector<16xf32>, vector<16xi1>
          %scan3A_366 = arith.constant 0 : i32
          %scan3A_367 = arith.constant 3 : i32
          %scan3A_368 = arith.addi %scan3A_298, %scan3A_367 : i32
          %mul3A_369 = arith.constant 16 : i32
          %mul3A_370 = arith.muli %scan3A_368, %mul3A_369 : i32
          %get3A_371 = arith.index_cast %mul3A_370 : i32 to index
          %get3A_372 = tpu.vector_load %arg5[%get3A_371] {strides = array<i32>} : memref<1024xi32, #tpu.memory_space<vmem>>, vector<16xi32>,
          %sub3A_373 = vector.broadcast %mul3A_287 : i32 to vector<16xi32>
          %sub3A_374 = arith.subi %get3A_372, %sub3A_373 : vector<16xi32>
          %ge3A_375 = arith.constant 0 : i32
          %ge3A_376 = vector.broadcast %ge3A_375 : i32 to vector<16xi32>
          %ge3A_377 = arith.cmpi sge, %sub3A_374, %ge3A_376 : vector<16xi32>
          %lt3A_378 = arith.constant 40 : i32
          %lt3A_379 = vector.broadcast %lt3A_378 : i32 to vector<16xi32>
          %lt3A_380 = arith.cmpi slt, %sub3A_374, %lt3A_379 : vector<16xi32>
          %and3A_381 = arith.andi %ge3A_377, %lt3A_380 : vector<16xi1>
          %mul3A_382 = arith.constant 16 : i32
          %mul3A_383 = arith.muli %scan3A_368, %mul3A_382 : i32
          %add3A_384 = vector.broadcast %mul3A_383 : i32 to vector<16xi32>
          %add3A_385 = arith.addi %add3A_384, %iota3A_288 : vector<16xi32>
          %scatter3A_386 = arith.constant 0 : i32
          %scatter3A_387 = arith.constant 0 : i32
          %scatter3A_388 = tpu.memref_slice %arg4[%cond3A_182, %scatter3A_386, %scatter3A_387] : memref<2x40x1024xf32, #tpu.memory_space<vmem>> -> memref<1x40x1024xf32, #tpu.memory_space<vmem>>
          %scatter3A_389 = tpu.memref_squeeze %scatter3A_388 : memref<1x40x1024xf32, #tpu.memory_space<vmem>> -> memref<40x1024xf32, #tpu.memory_space<vmem>>
          tpu.vector_store_idx %scatter3A_389[%sub3A_374, %add3A_385], %broadcast_in_dim3A_290 masked %and3A_381 : memref<40x1024xf32, #tpu.memory_space<vmem>>[vector<16xi32>, vector<16xi32>], vector<16xf32>, vector<16xi1>
          %scan3A_390 = arith.constant 0 : i32
          scf.yield %scan3A_390 : i32
        }
        %scan3A_297 = arith.constant 64 : i32
      } else {
      }
      "tpu.region"() ({
        %run_scoped3A = tpu.sem_alloc : memref<!tpu.dma_semaphore, #tpu.memory_space<semaphore_mem>>
        %dma_start3A_215 = arith.constant 0 : i32
        %dma_start3A_216 = tpu.memref_slice %arg2[%select_n3A_160, %dma_start3A_215] : memref<50x1024xi32, #tpu.memory_space<hbm>> -> memref<1x1024xi32, #tpu.memory_space<hbm>>
        %dma_start3A_217 = tpu.memref_squeeze %dma_start3A_216 : memref<1x1024xi32, #tpu.memory_space<hbm>> -> memref<1024xi32, #tpu.memory_space<hbm>>
        %dma_start3A_218 = arith.constant 0 : i32
        %dma_start3A_219 = tpu.memref_slice %arg2[%select_n3A_160, %dma_start3A_218] : memref<50x1024xi32, #tpu.memory_space<hbm>> -> memref<1x1024xi32, #tpu.memory_space<hbm>>
        %dma_start3A_220 = tpu.memref_squeeze %dma_start3A_219 : memref<1x1024xi32, #tpu.memory_space<hbm>> -> memref<1024xi32, #tpu.memory_space<hbm>>
        tpu.enqueue_dma source(%dma_start3A_220 : memref<1024xi32, #tpu.memory_space<hbm>>) target(%arg5 : memref<1024xi32, #tpu.memory_space<vmem>>) target_semaphore(%run_scoped3A : memref<!tpu.dma_semaphore, #tpu.memory_space<semaphore_mem>>)
        %dma_wait3A_221 = arith.constant 0 : i32
        %dma_wait3A_222 = tpu.memref_slice %arg2[%select_n3A_160, %dma_wait3A_221] : memref<50x1024xi32, #tpu.memory_space<hbm>> -> memref<1x1024xi32, #tpu.memory_space<hbm>>
        %dma_wait3A_223 = tpu.memref_squeeze %dma_wait3A_222 : memref<1x1024xi32, #tpu.memory_space<hbm>> -> memref<1024xi32, #tpu.memory_space<hbm>>
        %dma_wait3A_224 = arith.constant 0 : i32
        %dma_wait3A_225 = tpu.memref_slice %arg2[%select_n3A_160, %dma_wait3A_224] : memref<50x1024xi32, #tpu.memory_space<hbm>> -> memref<1x1024xi32, #tpu.memory_space<hbm>>
        %dma_wait3A_226 = tpu.memref_squeeze %dma_wait3A_225 : memref<1x1024xi32, #tpu.memory_space<hbm>> -> memref<1024xi32, #tpu.memory_space<hbm>>
        tpu.wait_dma2 semaphore(%run_scoped3A : memref<!tpu.dma_semaphore, #tpu.memory_space<semaphore_mem>>) src(%dma_wait3A_226 : memref<1024xi32, #tpu.memory_space<hbm>>) dst(%arg5 : memref<1024xi32, #tpu.memory_space<vmem>>)
        tpu.yield
      }) : () -> ()
      %iota3A_185 = tpu.iota {dimensions = array<i32: 0>} : vector<16xi32>
      %broadcast_in_dim3A_186 = arith.constant 1.000000e+00 : f32
      %broadcast_in_dim3A_187 = vector.broadcast %broadcast_in_dim3A_186 : f32 to vector<16xf32>
      %scan3A_188 = arith.constant 1 : i32
      %scan3A_189 = arith.constant 0 : i32
      %scan3A_190 = arith.constant 0 : i32
      %scan3A_191 = arith.constant 64 : i32
      %scan3A_192 = arith.addi %scan3A_190, %scan3A_191 : i32
      %scan3A_193 = arith.constant 4 : i32
      %scan3A_194 = scf.for %scan3A_215 = %scan3A_190 to %scan3A_192 step %scan3A_193 iter_args(%scan3A_216 = %scan3A_189) -> (i32)  : i32 {
        %mul3A_217 = arith.constant 16 : i32
        %mul3A_218 = arith.muli %scan3A_215, %mul3A_217 : i32
        %get3A = arith.index_cast %mul3A_218 : i32 to index
        %get3A_219 = tpu.vector_load %arg5[%get3A] {strides = array<i32>} : memref<1024xi32, #tpu.memory_space<vmem>>, vector<16xi32>,
        %sub3A_220 = vector.broadcast %mul3A_178 : i32 to vector<16xi32>
        %sub3A_221 = arith.subi %get3A_219, %sub3A_220 : vector<16xi32>
        %ge3A = arith.constant 0 : i32
        %ge3A_222 = vector.broadcast %ge3A : i32 to vector<16xi32>
        %ge3A_223 = arith.cmpi sge, %sub3A_221, %ge3A_222 : vector<16xi32>
        %lt3A_224 = arith.constant 40 : i32
        %lt3A_225 = vector.broadcast %lt3A_224 : i32 to vector<16xi32>
        %lt3A_226 = arith.cmpi slt, %sub3A_221, %lt3A_225 : vector<16xi32>
        %and3A_227 = arith.andi %ge3A_223, %lt3A_226 : vector<16xi1>
        %mul3A_228 = arith.constant 16 : i32
        %mul3A_229 = arith.muli %scan3A_215, %mul3A_228 : i32
        %add3A_230 = vector.broadcast %mul3A_229 : i32 to vector<16xi32>
        %add3A_231 = arith.addi %add3A_230, %iota3A_185 : vector<16xi32>
        %scatter3A = arith.constant 0 : i32
        %scatter3A_232 = arith.constant 0 : i32
        %scatter3A_233 = tpu.memref_slice %arg4[%scan3A_188, %scatter3A, %scatter3A_232] : memref<2x40x1024xf32, #tpu.memory_space<vmem>> -> memref<1x40x1024xf32, #tpu.memory_space<vmem>>
        %scatter3A_234 = tpu.memref_squeeze %scatter3A_233 : memref<1x40x1024xf32, #tpu.memory_space<vmem>> -> memref<40x1024xf32, #tpu.memory_space<vmem>>
        tpu.vector_store_idx %scatter3A_234[%sub3A_221, %add3A_231], %broadcast_in_dim3A_187 masked %and3A_227 : memref<40x1024xf32, #tpu.memory_space<vmem>>[vector<16xi32>, vector<16xi32>], vector<16xf32>, vector<16xi1>
        %scan3A_235 = arith.constant 0 : i32
        %scan3A_236 = arith.constant 1 : i32
        %scan3A_237 = arith.addi %scan3A_215, %scan3A_236 : i32
        %mul3A_238 = arith.constant 16 : i32
        %mul3A_239 = arith.muli %scan3A_237, %mul3A_238 : i32
        %get3A_240 = arith.index_cast %mul3A_239 : i32 to index
        %get3A_241 = tpu.vector_load %arg5[%get3A_240] {strides = array<i32>} : memref<1024xi32, #tpu.memory_space<vmem>>, vector<16xi32>,
        %sub3A_242 = vector.broadcast %mul3A_178 : i32 to vector<16xi32>
        %sub3A_243 = arith.subi %get3A_241, %sub3A_242 : vector<16xi32>
        %ge3A_244 = arith.constant 0 : i32
        %ge3A_245 = vector.broadcast %ge3A_244 : i32 to vector<16xi32>
        %ge3A_246 = arith.cmpi sge, %sub3A_243, %ge3A_245 : vector<16xi32>
        %lt3A_247 = arith.constant 40 : i32
        %lt3A_248 = vector.broadcast %lt3A_247 : i32 to vector<16xi32>
        %lt3A_249 = arith.cmpi slt, %sub3A_243, %lt3A_248 : vector<16xi32>
        %and3A_250 = arith.andi %ge3A_246, %lt3A_249 : vector<16xi1>
        %mul3A_251 = arith.constant 16 : i32
        %mul3A_252 = arith.muli %scan3A_237, %mul3A_251 : i32
        %add3A_253 = vector.broadcast %mul3A_252 : i32 to vector<16xi32>
        %add3A_254 = arith.addi %add3A_253, %iota3A_185 : vector<16xi32>
        %scatter3A_255 = arith.constant 0 : i32
        %scatter3A_256 = arith.constant 0 : i32
        %scatter3A_257 = tpu.memref_slice %arg4[%scan3A_188, %scatter3A_255, %scatter3A_256] : memref<2x40x1024xf32, #tpu.memory_space<vmem>> -> memref<1x40x1024xf32, #tpu.memory_space<vmem>>
        %scatter3A_258 = tpu.memref_squeeze %scatter3A_257 : memref<1x40x1024xf32, #tpu.memory_space<vmem>> -> memref<40x1024xf32, #tpu.memory_space<vmem>>
        tpu.vector_store_idx %scatter3A_258[%sub3A_243, %add3A_254], %broadcast_in_dim3A_187 masked %and3A_250 : memref<40x1024xf32, #tpu.memory_space<vmem>>[vector<16xi32>, vector<16xi32>], vector<16xf32>, vector<16xi1>
        %scan3A_259 = arith.constant 0 : i32
        %scan3A_260 = arith.constant 2 : i32
        %scan3A_261 = arith.addi %scan3A_215, %scan3A_260 : i32
        %mul3A_262 = arith.constant 16 : i32
        %mul3A_263 = arith.muli %scan3A_261, %mul3A_262 : i32
        %get3A_264 = arith.index_cast %mul3A_263 : i32 to index
        %get3A_265 = tpu.vector_load %arg5[%get3A_264] {strides = array<i32>} : memref<1024xi32, #tpu.memory_space<vmem>>, vector<16xi32>,
        %sub3A_266 = vector.broadcast %mul3A_178 : i32 to vector<16xi32>
        %sub3A_267 = arith.subi %get3A_265, %sub3A_266 : vector<16xi32>
        %ge3A_268 = arith.constant 0 : i32
        %ge3A_269 = vector.broadcast %ge3A_268 : i32 to vector<16xi32>
        %ge3A_270 = arith.cmpi sge, %sub3A_267, %ge3A_269 : vector<16xi32>
        %lt3A_271 = arith.constant 40 : i32
        %lt3A_272 = vector.broadcast %lt3A_271 : i32 to vector<16xi32>
        %lt3A_273 = arith.cmpi slt, %sub3A_267, %lt3A_272 : vector<16xi32>
        %and3A_274 = arith.andi %ge3A_270, %lt3A_273 : vector<16xi1>
        %mul3A_275 = arith.constant 16 : i32
        %mul3A_276 = arith.muli %scan3A_261, %mul3A_275 : i32
        %add3A_277 = vector.broadcast %mul3A_276 : i32 to vector<16xi32>
        %add3A_278 = arith.addi %add3A_277, %iota3A_185 : vector<16xi32>
        %scatter3A_279 = arith.constant 0 : i32
        %scatter3A_280 = arith.constant 0 : i32
        %scatter3A_281 = tpu.memref_slice %arg4[%scan3A_188, %scatter3A_279, %scatter3A_280] : memref<2x40x1024xf32, #tpu.memory_space<vmem>> -> memref<1x40x1024xf32, #tpu.memory_space<vmem>>
        %scatter3A_282 = tpu.memref_squeeze %scatter3A_281 : memref<1x40x1024xf32, #tpu.memory_space<vmem>> -> memref<40x1024xf32, #tpu.memory_space<vmem>>
        tpu.vector_store_idx %scatter3A_282[%sub3A_267, %add3A_278], %broadcast_in_dim3A_187 masked %and3A_274 : memref<40x1024xf32, #tpu.memory_space<vmem>>[vector<16xi32>, vector<16xi32>], vector<16xf32>, vector<16xi1>
        %scan3A_283 = arith.constant 0 : i32
        %scan3A_284 = arith.constant 3 : i32
        %scan3A_285 = arith.addi %scan3A_215, %scan3A_284 : i32
        %mul3A_286 = arith.constant 16 : i32
        %mul3A_287 = arith.muli %scan3A_285, %mul3A_286 : i32
        %get3A_288 = arith.index_cast %mul3A_287 : i32 to index
        %get3A_289 = tpu.vector_load %arg5[%get3A_288] {strides = array<i32>} : memref<1024xi32, #tpu.memory_space<vmem>>, vector<16xi32>,
        %sub3A_290 = vector.broadcast %mul3A_178 : i32 to vector<16xi32>
        %sub3A_291 = arith.subi %get3A_289, %sub3A_290 : vector<16xi32>
        %ge3A_292 = arith.constant 0 : i32
        %ge3A_293 = vector.broadcast %ge3A_292 : i32 to vector<16xi32>
        %ge3A_294 = arith.cmpi sge, %sub3A_291, %ge3A_293 : vector<16xi32>
        %lt3A_295 = arith.constant 40 : i32
        %lt3A_296 = vector.broadcast %lt3A_295 : i32 to vector<16xi32>
        %lt3A_297 = arith.cmpi slt, %sub3A_291, %lt3A_296 : vector<16xi32>
        %and3A_298 = arith.andi %ge3A_294, %lt3A_297 : vector<16xi1>
        %mul3A_299 = arith.constant 16 : i32
        %mul3A_300 = arith.muli %scan3A_285, %mul3A_299 : i32
        %add3A_301 = vector.broadcast %mul3A_300 : i32 to vector<16xi32>
        %add3A_302 = arith.addi %add3A_301, %iota3A_185 : vector<16xi32>
        %scatter3A_303 = arith.constant 0 : i32
        %scatter3A_304 = arith.constant 0 : i32
        %scatter3A_305 = tpu.memref_slice %arg4[%scan3A_188, %scatter3A_303, %scatter3A_304] : memref<2x40x1024xf32, #tpu.memory_space<vmem>> -> memref<1x40x1024xf32, #tpu.memory_space<vmem>>
        %scatter3A_306 = tpu.memref_squeeze %scatter3A_305 : memref<1x40x1024xf32, #tpu.memory_space<vmem>> -> memref<40x1024xf32, #tpu.memory_space<vmem>>
        tpu.vector_store_idx %scatter3A_306[%sub3A_291, %add3A_302], %broadcast_in_dim3A_187 masked %and3A_298 : memref<40x1024xf32, #tpu.memory_space<vmem>>[vector<16xi32>, vector<16xi32>], vector<16xf32>, vector<16xi1>
        %scan3A_307 = arith.constant 0 : i32
        scf.yield %scan3A_307 : i32
      }
      %scan3A_195 = arith.constant 64 : i32
      %dma_start3A_196 = arith.constant 1 : i32
      %dma_start3A_197 = arith.constant 1 : i32
      %dma_start3A_198 = arith.constant 0 : i32
      %dma_start3A_199 = arith.constant 0 : i32
      %dma_start3A_200 = tpu.memref_slice %arg4[%dma_start3A_196, %dma_start3A_198, %dma_start3A_199] : memref<2x40x1024xf32, #tpu.memory_space<vmem>> -> memref<1x40x1024xf32, #tpu.memory_space<vmem>>
      %dma_start3A_201 = tpu.memref_squeeze %dma_start3A_200 : memref<1x40x1024xf32, #tpu.memory_space<vmem>> -> memref<40x1024xf32, #tpu.memory_space<vmem>>
      %dma_start3A_202 = arith.constant 0 : i32
      %dma_start3A_203 = tpu.memref_slice %arg3[%select_n3A_160, %mul3A_178, %dma_start3A_202] : memref<50x1000x1024xf32, #tpu.memory_space<hbm>> -> memref<1x40x1024xf32, #tpu.memory_space<hbm>>
      %dma_start3A_204 = tpu.memref_squeeze %dma_start3A_203 : memref<1x40x1024xf32, #tpu.memory_space<hbm>> -> memref<40x1024xf32, #tpu.memory_space<hbm>>
      %dma_start3A_205 = tpu.memref_slice %arg6[%dma_start3A_197] : memref<2x!tpu.dma_semaphore, #tpu.memory_space<semaphore_mem>> -> memref<1x!tpu.dma_semaphore, #tpu.memory_space<semaphore_mem>>
      %dma_start3A_206 = tpu.memref_squeeze %dma_start3A_205 : memref<1x!tpu.dma_semaphore, #tpu.memory_space<semaphore_mem>> -> memref<!tpu.dma_semaphore, #tpu.memory_space<semaphore_mem>>
      %dma_start3A_207 = arith.constant 0 : i32
      %dma_start3A_208 = tpu.memref_slice %arg3[%select_n3A_160, %mul3A_178, %dma_start3A_207] : memref<50x1000x1024xf32, #tpu.memory_space<hbm>> -> memref<1x40x1024xf32, #tpu.memory_space<hbm>>
      %dma_start3A_209 = tpu.memref_squeeze %dma_start3A_208 : memref<1x40x1024xf32, #tpu.memory_space<hbm>> -> memref<40x1024xf32, #tpu.memory_space<hbm>>
      %dma_start3A_210 = arith.constant 0 : i32
      %dma_start3A_211 = arith.constant 0 : i32
      %dma_start3A_212 = tpu.memref_slice %arg4[%dma_start3A_196, %dma_start3A_210, %dma_start3A_211] : memref<2x40x1024xf32, #tpu.memory_space<vmem>> -> memref<1x40x1024xf32, #tpu.memory_space<vmem>>
      %dma_start3A_213 = tpu.memref_squeeze %dma_start3A_212 : memref<1x40x1024xf32, #tpu.memory_space<vmem>> -> memref<40x1024xf32, #tpu.memory_space<vmem>>
      tpu.enqueue_dma source(%dma_start3A_213 : memref<40x1024xf32, #tpu.memory_space<vmem>>) target(%dma_start3A_209 : memref<40x1024xf32, #tpu.memory_space<hbm>>) target_semaphore(%dma_start3A_206 : memref<!tpu.dma_semaphore, #tpu.memory_space<semaphore_mem>>)
      %scan3A_214 = arith.constant 0 : i32
      scf.yield %scan3A_214 : i32
    }
    %scan3A_14 = arith.constant 20 : i32
    %dma_wait3A = arith.constant 0 : i32
    %dma_wait3A_15 = arith.constant 0 : i32
    %dma_wait3A_16 = arith.constant 0 : i32
    %dma_wait3A_17 = arith.constant 0 : i32
    %dma_wait3A_18 = arith.constant 0 : i32
    %dma_wait3A_19 = tpu.memref_slice %arg4[%dma_wait3A, %dma_wait3A_17, %dma_wait3A_18] : memref<2x40x1024xf32, #tpu.memory_space<vmem>> -> memref<1x40x1024xf32, #tpu.memory_space<vmem>>
    %dma_wait3A_20 = tpu.memref_squeeze %dma_wait3A_19 : memref<1x40x1024xf32, #tpu.memory_space<vmem>> -> memref<40x1024xf32, #tpu.memory_space<vmem>>
    %dma_wait3A_21 = arith.constant 0 : i32
    %dma_wait3A_22 = arith.constant 0 : i32
    %dma_wait3A_23 = tpu.memref_slice %arg3[%dma_wait3A_15, %dma_wait3A_21, %dma_wait3A_22] : memref<50x1000x1024xf32, #tpu.memory_space<hbm>> -> memref<1x40x1024xf32, #tpu.memory_space<hbm>>
    %dma_wait3A_24 = tpu.memref_squeeze %dma_wait3A_23 : memref<1x40x1024xf32, #tpu.memory_space<hbm>> -> memref<40x1024xf32, #tpu.memory_space<hbm>>
    %dma_wait3A_25 = tpu.memref_slice %arg6[%dma_wait3A_16] : memref<2x!tpu.dma_semaphore, #tpu.memory_space<semaphore_mem>> -> memref<1x!tpu.dma_semaphore, #tpu.memory_space<semaphore_mem>>
    %dma_wait3A_26 = tpu.memref_squeeze %dma_wait3A_25 : memref<1x!tpu.dma_semaphore, #tpu.memory_space<semaphore_mem>> -> memref<!tpu.dma_semaphore, #tpu.memory_space<semaphore_mem>>
    %dma_wait3A_27 = arith.constant 0 : i32
    %dma_wait3A_28 = arith.constant 0 : i32
    %dma_wait3A_29 = tpu.memref_slice %arg3[%dma_wait3A_15, %dma_wait3A_27, %dma_wait3A_28] : memref<50x1000x1024xf32, #tpu.memory_space<hbm>> -> memref<1x40x1024xf32, #tpu.memory_space<hbm>>
    %dma_wait3A_30 = tpu.memref_squeeze %dma_wait3A_29 : memref<1x40x1024xf32, #tpu.memory_space<hbm>> -> memref<40x1024xf32, #tpu.memory_space<hbm>>
    %dma_wait3A_31 = arith.constant 0 : i32
    %dma_wait3A_32 = arith.constant 0 : i32
    %dma_wait3A_33 = tpu.memref_slice %arg4[%dma_wait3A, %dma_wait3A_31, %dma_wait3A_32] : memref<2x40x1024xf32, #tpu.memory_space<vmem>> -> memref<1x40x1024xf32, #tpu.memory_space<vmem>>
    %dma_wait3A_34 = tpu.memref_squeeze %dma_wait3A_33 : memref<1x40x1024xf32, #tpu.memory_space<vmem>> -> memref<40x1024xf32, #tpu.memory_space<vmem>>
    tpu.wait_dma2 semaphore(%dma_wait3A_26 : memref<!tpu.dma_semaphore, #tpu.memory_space<semaphore_mem>>) src(%dma_wait3A_34 : memref<40x1024xf32, #tpu.memory_space<vmem>>) dst(%dma_wait3A_30 : memref<40x1024xf32, #tpu.memory_space<hbm>>)
    %dma_wait3A_35 = arith.constant 1 : i32
    %dma_wait3A_36 = arith.constant 0 : i32
    %dma_wait3A_37 = arith.constant 1 : i32
    %dma_wait3A_38 = arith.constant 0 : i32
    %dma_wait3A_39 = arith.constant 0 : i32
    %dma_wait3A_40 = tpu.memref_slice %arg4[%dma_wait3A_35, %dma_wait3A_38, %dma_wait3A_39] : memref<2x40x1024xf32, #tpu.memory_space<vmem>> -> memref<1x40x1024xf32, #tpu.memory_space<vmem>>
    %dma_wait3A_41 = tpu.memref_squeeze %dma_wait3A_40 : memref<1x40x1024xf32, #tpu.memory_space<vmem>> -> memref<40x1024xf32, #tpu.memory_space<vmem>>
    %dma_wait3A_42 = arith.constant 0 : i32
    %dma_wait3A_43 = arith.constant 0 : i32
    %dma_wait3A_44 = tpu.memref_slice %arg3[%dma_wait3A_36, %dma_wait3A_42, %dma_wait3A_43] : memref<50x1000x1024xf32, #tpu.memory_space<hbm>> -> memref<1x40x1024xf32, #tpu.memory_space<hbm>>
    %dma_wait3A_45 = tpu.memref_squeeze %dma_wait3A_44 : memref<1x40x1024xf32, #tpu.memory_space<hbm>> -> memref<40x1024xf32, #tpu.memory_space<hbm>>
    %dma_wait3A_46 = tpu.memref_slice %arg6[%dma_wait3A_37] : memref<2x!tpu.dma_semaphore, #tpu.memory_space<semaphore_mem>> -> memref<1x!tpu.dma_semaphore, #tpu.memory_space<semaphore_mem>>
    %dma_wait3A_47 = tpu.memref_squeeze %dma_wait3A_46 : memref<1x!tpu.dma_semaphore, #tpu.memory_space<semaphore_mem>> -> memref<!tpu.dma_semaphore, #tpu.memory_space<semaphore_mem>>
    %dma_wait3A_48 = arith.constant 0 : i32
    %dma_wait3A_49 = arith.constant 0 : i32
    %dma_wait3A_50 = tpu.memref_slice %arg3[%dma_wait3A_36, %dma_wait3A_48, %dma_wait3A_49] : memref<50x1000x1024xf32, #tpu.memory_space<hbm>> -> memref<1x40x1024xf32, #tpu.memory_space<hbm>>
    %dma_wait3A_51 = tpu.memref_squeeze %dma_wait3A_50 : memref<1x40x1024xf32, #tpu.memory_space<hbm>> -> memref<40x1024xf32, #tpu.memory_space<hbm>>
    %dma_wait3A_52 = arith.constant 0 : i32
    %dma_wait3A_53 = arith.constant 0 : i32
    %dma_wait3A_54 = tpu.memref_slice %arg4[%dma_wait3A_35, %dma_wait3A_52, %dma_wait3A_53] : memref<2x40x1024xf32, #tpu.memory_space<vmem>> -> memref<1x40x1024xf32, #tpu.memory_space<vmem>>
    %dma_wait3A_55 = tpu.memref_squeeze %dma_wait3A_54 : memref<1x40x1024xf32, #tpu.memory_space<vmem>> -> memref<40x1024xf32, #tpu.memory_space<vmem>>
    tpu.wait_dma2 semaphore(%dma_wait3A_47 : memref<!tpu.dma_semaphore, #tpu.memory_space<semaphore_mem>>) src(%dma_wait3A_55 : memref<40x1024xf32, #tpu.memory_space<vmem>>) dst(%dma_wait3A_51 : memref<40x1024xf32, #tpu.memory_space<hbm>>)
    return
  }
}

</mosaic_0001>

<sc_bundles>
// kernel: kernel.3.cloned.1.call-start
scs
__scs_entry_jumppad:
0x0: {  	(pc) =	sbr.rel $0x88, $3  }
0x1: {  	(tag) =	ssettag $0x0;
	lr =	simm.s32 $0x1  }
0x2: {  	[smem:$0x3FA0] =	sst lr;
	_ =	strace $0xD0000000  }
0x3: {  	_ = 	snop  }
0x4: {  	_ = 	snop  }
0x5: {  	_ = 	snop  }
0x6: {  	_ = 	snop  }
0x7: {  	_ = 	snop  }
__scs_overlays_trampoline_lowered:
0x8: {  	[smem:$0x3FAF] =	sst s0  }
0x9: {  	[smem:$0x3FB0] =	sst s1  }
0xa: {  	[smem:$0x3FB1] =	sst s2  }
0xb: {  	[smem:$0x3FB2] =	sst s3  }
0xc: {  	[smem:$0x3FB3] =	sst s4  }
0xd: {  	[smem:$0x3FB4] =	sst s5  }
0xe: {  	[smem:$0x3FB5] =	sst s6  }
0xf: {  	[smem:$0x3FB6] =	sst s7  }
0x10: {  	[smem:$0x3FB7] =	sst s8  }
0x11: {  	[smem:$0x3FB8] =	sst s9;
	s0 =	simm.s32 @!p0 $0x0  }
0x12: {  	s1 =	sld [smem:$0x3F9E];
	s0 =	simm.s32 @p0 $0x1  }
0x13: {  	[smem:$0x3FB9] =	sst s0;
	s0 =	simm.s32 @!p1 $0x0  }
0x14: {  	s2 =	sld [smem:$0x3F9D];
	s0 =	simm.s32 @p1 $0x1  }
0x15: {  	[smem:$0x3FBA] =	sst s0;
	s0 =	simm.s32 @!p2 $0x0  }
0x16: {  	s3 =	sld [smem:$0x3FDB];
	s0 =	simm.s32 @p2 $0x1  }
0x17: {  	s4 =	simm.s32 $0x1BF5;
	[smem:$0x3FBC] =	sst s0  }
0x18: {  	s0 =	sld [smem:$0x3F9F];
	_ =	swait.ge [sflag:s4], $0x0  }
0x19: {  	s7 =	sld [smem:$0x3FA0]  }
0x1a: {  	s8 =	sadd.s32 $0xFFFFE003, lr  }
0x1b: {  	s9 =	sadd.s32 $0xFFFFFEF7, lr;
	s5 =	simm.s32 $0xFFFFFFFF;
	p2 =	slt.u32 s8, $0xFFFFF086  }
0x1c: {  	p1 =	slt.u32 s9, $0xF7A;
	s5 =	simm.s32 @!p2 $0x0  }
0x1d: {  	s5 =	simm.s32 @p1 $0x1;
	p0 =	seq.s32 s7, s2  }
0x1e: {  	s7 =	smul.u32 @!p0 $0xF7A, s2;
	p2 =	seq.s32 @!p0 s5, $0x0  }
0x1f: {  	s9 =	smul.u32 $0xF7A, s1;
	s8 =	simm.s32 @!p0 $0x1BF5;
	p2 =	por !p2, p0  }
0x20: {  	[sflag:s8] =	ssyncset.s32 @!p0 $0xFFFFF086;
	s6 =	sadd.s32 @!p0 s3, s7;
	s7 =	simm.s32 @!p0 $0x108  }
0x21: {  	s3 =	sadd.s32 s3, s9;
	s6 =	sadd.s32 @!p0 $0x88, s6;
	s7 =	simm.s32 @p2 $0x1082  }
0x22: {  	[simem:s7], [sflag:s8] =	dma.local @!p0 [hbm:s6], $0xF7A  }
0x23: {  	s9 =	sor.u32 $0xD0000000, s2;
	s6 =	simm.s32 $0x108;
	_ =	swait.ge @!p0 [sflag:s8], $0x0  }
0x24: {  	s3 =	sadd.s32 $0x88, s3;
	s6 =	simm.s32 @!p1 $0x1082;
	[sflag:s4] =	ssyncset.s32 $0xFFFFF086  }
0x25: {  	[simem:s6], [sflag:s4] =	dma.local [hbm:s3], $0xF7A  }
0x26: {  	[smem:$0x3FA0] =	sst s1;
	(tag) =	ssettag s2;
	_ =	strace s9  }
0x27: {  	s1 =	sld [smem:$0x3FB0]  }
0x28: {  	s2 =	sld [smem:$0x3FB1]  }
0x29: {  	s4 =	sld [smem:$0x3FB3]  }
0x2a: {  	p0 =	seq.s32 s5, $0x0;
	s5 =	sld [smem:$0x3FB4]  }
0x2b: {  	s6 =	sld [smem:$0x3FB5]  }
0x2c: {  	s7 =	sld [smem:$0x3FB6]  }
0x2d: {  	s3 =	simm.s32 $0x108;
	s8 =	sld [smem:$0x3FB7]  }
0x2e: {  	s3 =	simm.s32 @!p0 $0x1082;
	s9 =	sld [smem:$0x3FB8]  }
0x2f: {  	lr =	sadd.s32 s0, s3;
	s0 =	sld [smem:$0x3FAF]  }
0x30: {  	s3 =	sld [smem:$0x3FB2]  }
0x31: {  	[smem:$0x3FBB] =	sst s10  }
0x32: {  	s10 =	sld [smem:$0x3FB9];
	_ =	sdelay $0x3  }
0x33: {  	p0 =	seq.s32 s10, $0x1;
	s10 =	sld [smem:$0x3FBB];
	_ =	sdelay $0x3  }
0x34: {  	[smem:$0x3FBB] =	sst s10  }
0x35: {  	s10 =	sld [smem:$0x3FBA];
	_ =	sdelay $0x3  }
0x36: {  	p1 =	seq.s32 s10, $0x1;
	s10 =	sld [smem:$0x3FBB];
	_ =	sdelay $0x3  }
0x37: {  	[smem:$0x3FBB] =	sst s10  }
0x38: {  	s10 =	sld [smem:$0x3FBC]  }
0x39: {  	_ = 	snop;
	(pc) =	sbr.ind lr, $3  }
0x3a: {  	_ = 	snop  }
0x3b: {  	_ = 	snop  }
0x3c: {  	p2 =	seq.s32 s10, $0x1;
	s10 =	sld [smem:$0x3FBB]  }
0x3d: {  	_ =	shalt  }
0x3e: {  	_ =	shalt  }
0x3f: {  	_ =	shalt  }
0x40: {  	_ =	shalt  }
0x41: {  	_ =	shalt  }
0x42: {  	_ =	shalt  }
0x43: {  	_ =	shalt  }
0x44: {  	_ =	shalt  }
0x45: {  	_ =	shalt  }
0x46: {  	_ =	shalt  }
0x47: {  	_ =	shalt  }
0x48: {  	_ =	shalt  }
0x49: {  	_ =	shalt  }
0x4a: {  	_ =	shalt  }
0x4b: {  	_ =	shalt  }
0x4c: {  	_ =	shalt  }
0x4d: {  	_ =	shalt  }
0x4e: {  	_ =	shalt  }
0x4f: {  	_ =	shalt  }
0x50: {  	_ =	shalt  }
0x51: {  	_ =	shalt  }
0x52: {  	_ =	shalt  }
0x53: {  	_ =	shalt  }
0x54: {  	_ =	shalt  }
0x55: {  	_ =	shalt  }
0x56: {  	_ =	shalt  }
0x57: {  	_ =	shalt  }
0x58: {  	_ =	shalt  }
0x59: {  	_ =	shalt  }
0x5a: {  	_ =	shalt  }
0x5b: {  	_ =	shalt  }
0x5c: {  	_ =	shalt  }
0x5d: {  	_ =	shalt  }
0x5e: {  	_ =	shalt  }
0x5f: {  	_ =	shalt  }
0x60: {  	_ =	shalt  }
0x61: {  	_ =	shalt  }
0x62: {  	_ =	shalt  }
0x63: {  	_ =	shalt  }
0x64: {  	_ =	shalt  }
0x65: {  	_ =	shalt  }
0x66: {  	_ =	shalt  }
0x67: {  	_ =	shalt  }
0x68: {  	_ =	shalt  }
0x69: {  	_ =	shalt  }
0x6a: {  	_ =	shalt  }
0x6b: {  	_ =	shalt  }
0x6c: {  	_ =	shalt  }
0x6d: {  	_ =	shalt  }
0x6e: {  	_ =	shalt  }
0x6f: {  	_ =	shalt  }
0x70: {  	_ =	shalt  }
0x71: {  	_ =	shalt  }
0x72: {  	_ =	shalt  }
0x73: {  	_ =	shalt  }
0x74: {  	_ =	shalt  }
0x75: {  	_ =	shalt  }
0x76: {  	_ =	shalt  }
0x77: {  	_ =	shalt  }
0x78: {  	_ =	shalt  }
0x79: {  	_ =	shalt  }
0x7a: {  	_ =	shalt  }
0x7b: {  	_ =	shalt  }
0x7c: {  	_ =	shalt  }
0x7d: {  	_ =	shalt  }
0x7e: {  	_ =	shalt  }
0x7f: {  	_ =	shalt  }
0x80: {  	_ =	shalt  }
0x81: {  	_ =	shalt  }
0x82: {  	_ =	shalt  }
0x83: {  	_ =	shalt  }
0x84: {  	_ =	shalt  }
0x85: {  	_ =	shalt  }
0x86: {  	_ =	shalt  }
0x87: {  	_ =	shalt  }
.Lfunc_end0:
.L_simem_size_0:
called_computation_lowered:
.L_overlay_start_0:
0x88: {  	s2 =	sld [smem:$0x3FD9]  }
0x89: {  	s3 =	sld [smem:$0x3FFE];
	_ =	sdelay $0x1  }
0x8a: {  	s1 =	srdreg.scid  }
0x8b: {  	s0 =	sand.u32 $0x1, s1  }
0x8c: {  	s18 =	sshll.u32 s0, $0xA;
	s2 =	sadd.s32 s3, s2  }
0x8d: {  	s2 =	sadd.s32 s2, s18  }
0x8e: {  	[smem:$0x3FC7] =	sst s2  }
0x8f: {  	_ = 	snop  }
0x90: {  	s2 =	sld [smem:$0x3FC9]  }
0x91: {  	s19 =	sld [smem:$0x3FD0];
	(tm) =	ssettm $0x1  }
0x92: {  	s4 =	sld [smem:$0x3FFB];
	_ =	sdelay $0x3  }
0x93: {  	_ =	strace s4  }
0x94: {  	s4 =	sld [smem:$0x3FFC];
	_ =	sdelay $0x3  }
0x95: {  	_ =	strace s4  }
0x96: {  	s4 =	sld [smem:$0x3FFD];
	_ =	sdelay $0x3  }
0x97: {  	_ =	strace s4  }
0x98: {  	_ =	strace $0x8FFFFFFF  }
0x99: {  	s20 =	sld [smem:$0x3FDB];
	_ =	sdelay $0x1  }
0x9a: {  	s5 =	simm.s32 $_scs_section_size  }
0x9b: {  	s6 =	simm.s32 $_size__tile_overlayer_lowered;
	s7 =	simm.s32 $_tile_overlayer_lowered  }
0x9c: {  	s23 =	simm.s32 $0x1BFF;
	s22 =	sshll.u32 s7, $0x1;
	s4 =	sadd.s32 s5, s20  }
0x9d: {  	s8 =	simm.s32 $0x0;
	s21 =	sshll.u32 s6, $0x1;
	s6 =	sadd.s32 s22, s4  }
0x9e: {  	[timem:s8], [sflag:s23] =	dma.local [hbm:s6], s21  }
0x9f: {  	_ =	swait.ge [sflag:s23], s21  }
0xa0: {  	s5 =	ssub.s32 $0x0, s21;
	[sflag:s23] =	ssyncset.done $0x0  }
0xa1: {  	[sflag:s23] =	ssyncadd.s32 s5;
	_ =	sdelay $0x1  }
0xa2: {  	s24 =	simm.s32 $0x1B8B  }
0xa3: {  	_ =	swait.ge [sflag:s24], $0x1  }
0xa4: {  	[sflag:s24] =	ssyncset.done $0x0  }
0xa5: {  	s25 =	simm.s32 $0x1B8E;
	[sflag:s24] =	ssyncadd.s32 $0xFFFFFFFF  }
0xa6: {  	s26 =	simm.s32 $execute0_lowered;
	[smem:$0x3FD2] =	sst s25  }
0xa7: {  	s5 =	sshll.u32 s26, $0x1;
	_ =	strace $0x80000046;
	[dreg:$0x1] =	wrdreg $0xFFFFFFFF  }
0xa8: {  	s28 =	simm.s32 $_size_execute0_lowered;
	s4 =	sadd.s32 s4, s5;
	[dreg:$0x0] =	wrdreg $0x0  }
0xa9: {  	s5 =	sshll.u32 s28, $0x1;
	[dreg:$0x2] =	wrdreg s4  }
0xaa: {  	[dreg:$0x3] =	wrdreg s5  }
0xab: {  	[dreg:$0x4] =	wrdreg $0xC0  }
0xac: {  	_ =	task [dreg:s8], $0x5FFFF  }
0xad: {  	[dreg:$0x1] =	wrdreg $0xFFFFFFFF  }
0xae: {  	[dreg:$0x0] =	wrdreg $0x60  }
0xaf: {  	[dreg:$0x2] =	wrdreg s2  }
0xb0: {  	[dreg:$0x3] =	wrdreg s19  }
0xb1: {  	[dreg:$0x4] =	wrdreg $0x9  }
0xb2: {  	_ =	task.clear_ibuf [dreg:s8], $0x5FFFF;
	_ =	strace $0x90000046  }
0xb3: {  	s29 =	simm.s32 $0x9;
	_ =	strace $0x80000048  }
0xb4: {  	_ =	swait.ge [sflag:s29], $0x1  }
0xb5: {  	[sflag:s29] =	ssyncadd.s32 $0xFFFFFFFF  }
0xb6: {  	_ =	strace $0x90000048  }
0xb7: {  	_ =	sfence  }
0xb8: {  	s30 =	sld [smem:$0x0];
	_ =	sdelay $0x2  }
0xb9: {  	s31 =	sshll.u32 s1, $0xD;
	s1 =	sshrl.u32 s1, $0x2  }
0xba: {  	s3 =	sand.u32 $0x4000, s31;
	s1 =	sadd.s32 s1, s30  }
0xbb: {  	s0 =	sor.u32 s3, s0;
	s1 =	sshll.u32 s1, $0x11  }
0xbc: {  	s0 =	sor.u32 s1, s0  }
0xbd: {  	s0 =	sadd.s32 $0x8F2B, s0  }
0xbe: {  	[sflag:s0] =	ssyncadd.remote.s32 $0x1  }
0xbf: {  	_ =	sfence.sel $0xFFFF  }
0xc0: {  	[dreg:$0x0] =	wrdreg $0xFFFFFFFF;
	(pc) =	sbr.abs _section_cstart, $3  }
0xc1: {  	[dreg:$0x1] =	wrdreg $0xFFFFFFFF  }
0xc2: {  	_ =	task.clear_ibuf [dreg:s8], $0x2FFFF;
	_ =	strace $0x9FFFFFFF  }
0xc3: {  	(tm) =	ssettm $0x7FFFFFFF  }
tec
execute0_lowered:
.L_overlay_start_1:
0x0: {  	(tag) =	ssettag $0x1  }
0x1: {  	s1 =	rddreg [dreg:$0x0]  }
0x2: {  	s3 =	rddreg [dreg:$0x1]  }
0x3: {  	s0 =	rddreg [dreg:$0x2];
	s5 =	srdreg.scid  }
0x4: {  	s4 =	simm.s32 $0x0;
	s2 =	stileid.u32;
	s9 =	simm.s32 $0x80  }
0x5: {  	s10 =	simm.s32 $0x400;
	s11 =	simm.s32 $0x14000;
	s12 =	simm.s32 $0x3  }
0x6: {  	s13 =	simm.s32 $0xA000;
	s14 =	simm.s32 $0x1;
	s5 =	sand.u32 $0x1, s5  }
0x7: {  	s15 =	simm.s32 $0x2;
	s16 =	simm.s32 $0x0;
	s6 =	ssub.s32 $0x2, s5  }
0x8: {  	[smem:$0x7FF] =	sst s4;
	s7 =	sshll.u32 s2, $0x1;
	s8 =	sshrl.u32 s6, $0x1  }
0x9: {  	_ =	strace $0x80000047;
	s5 =	sor.u32 s5, s7;
	s8 =	ssub.s32 s6, s8  }
0xa: {  	v0 =	vimm.f32 $0.0e+00;
	v1 =	vlaneseq.u32;
	v2 =	vimm.f32 $1.000000000e+00;
	s7 =	sor.u32 $0xFFFFFFE0, s5;
	s6 =	sor.u32 $0xFFFFFFC0, s5;
	s8 =	smax.u32 s8, $0x1  }
.LBB2_1:
0xb: {  	s17 =	simm.s32 $0x0  }
0xc: {  	s18 =	sand.u32 $0x1C00, s4;
	s19 =	simm.s32 $0x0;
	s17 =	sand.u32 $0xE000, s17  }
0xd: {  	s19 =	sand.u32 $0x380, s19;
	s17 =	sor.u32 s18, s17  }
0xe: {  	s18 =	sor.u32 s19, s17  }
0xf: {  	[tilespmem:s18+$0xA070] =	vst v0  }
0x10: {  	[tilespmem:s18+$0x0] =	vst v0  }
0x11: {  	[tilespmem:s18+$0xA000] =	vst v0  }
0x12: {  	[tilespmem:s18+$0x10] =	vst v0  }
0x13: {  	[tilespmem:s18+$0xA010] =	vst v0  }
0x14: {  	[tilespmem:s18+$0x20] =	vst v0  }
0x15: {  	[tilespmem:s18+$0xA020] =	vst v0  }
0x16: {  	[tilespmem:s18+$0x30] =	vst v0  }
0x17: {  	[tilespmem:s18+$0xA030] =	vst v0  }
0x18: {  	[tilespmem:s18+$0x40] =	vst v0  }
0x19: {  	s20 =	simm.s32 $0x0;
	s19 =	simm.s32 $0x0;
	[tilespmem:s18+$0xA040] =	vst v0  }
.LBB2_2:
0x1a: {  	s19 =	sadd.s32 $0x8, s19;
	[tilespmem:s18+$0x50] =	vst v0  }
0x1b: {  	s20 =	sadd.s32 $0x400, s20;
	s17 =	sshll.u32 s19, $0x4;
	p0 =	slt.u32 s19, $0x9F8;
	[tilespmem:s18+$0xA050] =	vst v0  }
0x1c: {  	s21 =	sand.u32 $0x1C00, s20;
	s22 =	sshll.u32 s19, $0x1;
	s17 =	sand.u32 $0xE000, s17;
	[tilespmem:s18+$0x60] =	vst v0  }
0x1d: {  	s22 =	sand.u32 $0x380, s22;
	s17 =	sor.u32 s21, s17;
	[tilespmem:s18+$0xA060] =	vst v0  }
0x1e: {  	[tilespmem:s18+$0x70] =	vst v0;
	s18 =	sor.u32 s22, s17  }
0x1f: {  	s17 =	simm.s32 $0x0;
	[tilespmem:s18+$0xA070] =	vst v0  }
0x20: {  	[tilespmem:s18+$0x0] =	vst v0  }
0x21: {  	[tilespmem:s18+$0xA000] =	vst v0  }
0x22: {  	[tilespmem:s18+$0x10] =	vst v0  }
0x23: {  	[tilespmem:s18+$0xA010] =	vst v0  }
0x24: {  	[tilespmem:s18+$0x20] =	vst v0  }
.Ltmp0:
0x25: {  	[tilespmem:s18+$0xA020] =	vst v0;
	(pc) =	sbr.rel @p0 .LBB2_2-.Ltmp0, $4  }
0x26: {  	[tilespmem:s18+$0x30] =	vst v0  }
0x27: {  	[tilespmem:s18+$0xA030] =	vst v0  }
0x28: {  	[tilespmem:s18+$0x40] =	vst v0  }
0x29: {  	[tilespmem:s18+$0xA040] =	vst v0  }
0x2a: {  	[tilespmem:s18+$0x50] =	vst v0  }
0x2b: {  	[tilespmem:s18+$0xA050] =	vst v0  }
0x2c: {  	[tilespmem:s18+$0x60] =	vst v0  }
0x2d: {  	[tilespmem:s18+$0xA060] =	vst v0  }
0x2e: {  	[tilespmem:s18+$0x70] =	vst v0  }
.LBB2_4:
0x2f: {  	p0 =	seq.s32 s17, $0x0  }
.Ltmp1:
0x30: {  	_ = 	snop;
	(pc) =	sbr.rel @p0 .LBB2_7-.Ltmp1, $2  }
0x31: {  	_ =	sdelay $0x2  }
0x32: {  	s18 =	sshll.u32 s17, $0x6  }
0x33: {  	s19 =	sadd.s32 s6, s18  }
0x34: {  	s20 =	smulhi.u32 $0x51EB851F, s19;
	_ =	sdelay $0x1  }
0x35: {  	s20 =	sshrl.u32 s20, $0x3  }
0x36: {  	s21 =	smul.u32 $0x19, s20;
	_ =	sdelay $0x1  }
0x37: {  	s21 =	ssub.s32 s19, s21  }
0x38: {  	p1 =	slt.s32 s19, $0x1;
	p2 =	sne.s32 s21, $0x0  }
0x39: {  	p1 =	por !p1, !p2  }
0x3a: {  	s19 =	simm.s32 $0x1;
	p1 =	por !p1, !p1  }
0x3b: {  	s19 =	simm.s32 @!p1 $0x0  }
0x3c: {  	s19 =	ssub.s32 s20, s19  }
0x3d: {  	s20 =	sshll.u32 s19, $0xA;
	s19 =	sshll.u32 s19, $0x7  }
0x3e: {  	s20 =	sand.u32 $0xFFFFE000, s20;
	s19 =	sand.u32 $0x380, s19  }
0x3f: {  	_ =	swait.ge [sflag:s14], $0xA000;
	s19 =	sor.u32 s19, s20  }
0x40: {  	[sflag:s14] =	ssyncset.done $0x0;
	s19 =	sshrl.u32 s19, $0x3  }
0x41: {  	[sflag:s14] =	ssyncadd.s32 $0xFFFF6000;
	s19 =	sadd.s32 s1, s19  }
0x42: {  	[tilespmem:s11], [sflag:$0x3] =	stream.strided.gather [hbm4b:s19+s9], $0x400, s10, s9, $0x38;
	[tilespmem:$0x14400] =	vst v63  }
0x43: {  	s31 =	smul.u32 $0x28, s21;
	_ =	swait.ge [sflag:s12], $0x400  }
0x44: {  	s21 =	simm.s32 $0x14020;
	[sflag:s12] =	ssyncset.done $0x0  }
0x45: {  	v3 =	vmov s31;
	s20 =	simm.s32 $0x0;
	s19 =	simm.s32 $0xFFFFFFFC;
	[sflag:s12] =	ssyncadd.s32 $0xFFFFFC00  }
.LBB2_6:
0x46: {  	v4 =	vld [tilespmem:s21+$0xFFFFFFE0];
	_ =	sdelay $0x2  }
0x47: {  	v5 =	vmov s20;
	v7 =	vor.u32 s20, v1  }
0x48: {  	v5 =	vshll.u32 v5, $0x3;
	v7 =	vand.u32 $0x4F, v7  }
0x49: {  	v5 =	vand.u32 $0x1C00, v5;
	v6 =	vsub.s32 v4, v3;
	v4 =	vshll.u32 v4, $0x7  }
0x4a: {  	v5 =	vor.u32 v5, v7;
	v50 =	vshll.u32 v6, $0xA;
	v4 =	vand.u32 $0x380, v4  }
0x4b: {  	vm0 =	vlt.u32 v6, $0x28;
	v51 =	vand.u32 $0xFFFFE000, v50;
	v4 =	vor.u32 v4, v5  }
0x4c: {  	v4 =	vor.u32 v51, v4;
	_ =	sdelay $0x4  }
0x4d: {  	[tilespmem:v4+s4+$0x0] =	vst.idx.msk vm0, v0  }
0x4e: {  	v4 =	vld [tilespmem:s21+$0xFFFFFFF0];
	_ =	sdelay $0x1  }
0x4f: {  	s22 =	sadd.s32 $0x10, s20  }
0x50: {  	v53 =	vor.u32 s22, v1;
	v5 =	vmov s22  }
0x51: {  	v7 =	vand.u32 $0x5F, v53;
	v5 =	vshll.u32 v5, $0x3  }
0x52: {  	v5 =	vand.u32 $0x1C00, v5;
	v52 =	vsub.s32 v4, v3;
	v4 =	vshll.u32 v4, $0x7  }
0x53: {  	v5 =	vor.u32 v5, v7;
	v54 =	vshll.u32 v52, $0xA;
	v4 =	vand.u32 $0x380, v4  }
0x54: {  	vm13 =	vlt.u32 v52, $0x28;
	v55 =	vand.u32 $0xFFFFE000, v54;
	v4 =	vor.u32 v4, v5  }
0x55: {  	v4 =	vor.u32 v55, v4;
	_ =	sdelay $0x4  }
0x56: {  	[tilespmem:v4+s4+$0x0] =	vst.idx.msk vm13, v0  }
0x57: {  	v4 =	vld [tilespmem:s21+$0x0];
	_ =	sdelay $0x1  }
0x58: {  	s30 =	sadd.s32 $0x20, s20  }
0x59: {  	v57 =	vor.u32 s30, v1;
	v5 =	vmov s30  }
0x5a: {  	v7 =	vand.u32 $0x6F, v57;
	v5 =	vshll.u32 v5, $0x3  }
0x5b: {  	v5 =	vand.u32 $0x1C00, v5;
	v56 =	vsub.s32 v4, v3;
	v4 =	vshll.u32 v4, $0x7  }
0x5c: {  	v5 =	vor.u32 v5, v7;
	v58 =	vshll.u32 v56, $0xA;
	v4 =	vand.u32 $0x380, v4  }
0x5d: {  	vm14 =	vlt.u32 v56, $0x28;
	v59 =	vand.u32 $0xFFFFE000, v58;
	v4 =	vor.u32 v4, v5  }
0x5e: {  	v4 =	vor.u32 v59, v4;
	_ =	sdelay $0x4  }
0x5f: {  	[tilespmem:v4+s4+$0x0] =	vst.idx.msk vm14, v0  }
0x60: {  	v4 =	vld [tilespmem:s21+$0x10];
	_ =	sdelay $0x1  }
0x61: {  	s31 =	sadd.s32 $0x30, s20  }
0x62: {  	v61 =	vor.u32 s31, v1;
	v5 =	vmov s31  }
0x63: {  	v7 =	vand.u32 $0x7F, v61;
	v5 =	vshll.u32 v5, $0x3  }
0x64: {  	v5 =	vand.u32 $0x1C00, v5;
	v60 =	vsub.s32 v4, v3;
	v4 =	vshll.u32 v4, $0x7  }
0x65: {  	v5 =	vor.u32 v5, v7;
	v62 =	vshll.u32 v60, $0xA;
	v4 =	vand.u32 $0x380, v4  }
0x66: {  	s19 =	sadd.s32 $0x4, s19;
	vm15 =	vlt.u32 v60, $0x28;
	v63 =	vand.u32 $0xFFFFE000, v62;
	v4 =	vor.u32 v4, v5  }
0x67: {  	p1 =	slt.u32 s19, $0x3C;
	v4 =	vor.u32 v63, v4  }
.Ltmp2:
0x68: {  	_ = 	snop;
	(pc) =	sbr.rel @p1 .LBB2_6-.Ltmp2, $2  }
0x69: {  	_ =	sdelay $0x2  }
0x6a: {  	s20 =	sadd.s32 $0x40, s20;
	s21 =	sadd.s32 $0x40, s21;
	[tilespmem:v4+s4+$0x0] =	vst.idx.msk vm15, v0  }
.LBB2_7:
0x6b: {  	s19 =	sor.u32 s5, s18  }
0x6c: {  	s20 =	smulhi.u32 $0x51EB851F, s19;
	_ =	sdelay $0x1  }
0x6d: {  	s20 =	sshrl.u32 s20, $0x3  }
0x6e: {  	s21 =	sshll.u32 s20, $0x4  }
0x6f: {  	s22 =	sshll.u32 s20, $0x7;
	s21 =	sand.u32 $0x70, s21  }
0x70: {  	s22 =	sand.u32 $0xFFFFC00, s22;
	s21 =	sadd.s32 s1, s21  }
0x71: {  	s23 =	smul.u32 $0x19, s20;
	s21 =	sadd.s32 s22, s21  }
0x72: {  	[tilespmem:s11], [sflag:$0x3] =	stream.strided.gather [hbm4b:s21+s9], $0x400, s10, s9, $0x38;
	[tilespmem:$0x14400] =	vst v63  }
0x73: {  	s21 =	ssub.s32 s19, s23  }
0x74: {  	_ =	swait.ge [sflag:s12], $0x400;
	s31 =	smul.u32 $0x28, s21  }
0x75: {  	s24 =	simm.s32 $0x14020;
	[sflag:s12] =	ssyncset.done $0x0  }
0x76: {  	s22 =	simm.s32 $0xFFFFFFFC;
	s23 =	simm.s32 $0x0;
	[sflag:s12] =	ssyncadd.s32 $0xFFFFFC00;
	v3 =	vmov s31  }
.LBB2_8:
0x77: {  	v4 =	vld [tilespmem:s24+$0xFFFFFFE0];
	_ =	sdelay $0x2  }
0x78: {  	v5 =	vmov s23;
	v7 =	vor.u32 s23, v1  }
0x79: {  	v5 =	vshll.u32 v5, $0x3;
	v7 =	vand.u32 $0x4F, v7  }
0x7a: {  	v5 =	vand.u32 $0x1C00, v5;
	v6 =	vsub.s32 v4, v3;
	v4 =	vshll.u32 v4, $0x7  }
0x7b: {  	v5 =	vor.u32 v5, v7;
	v50 =	vshll.u32 v6, $0xA;
	v4 =	vand.u32 $0x380, v4  }
0x7c: {  	vm0 =	vlt.u32 v6, $0x28;
	v51 =	vand.u32 $0xFFFFE000, v50;
	v4 =	vor.u32 v4, v5  }
0x7d: {  	v4 =	vor.u32 v51, v4;
	_ =	sdelay $0x4  }
0x7e: {  	[tilespmem:v4+s4+$0x0] =	vst.idx.msk vm0, v2  }
0x7f: {  	v4 =	vld [tilespmem:s24+$0xFFFFFFF0];
	_ =	sdelay $0x1  }
0x80: {  	s25 =	sadd.s32 $0x10, s23  }
0x81: {  	v53 =	vor.u32 s25, v1;
	v5 =	vmov s25  }
0x82: {  	v7 =	vand.u32 $0x5F, v53;
	v5 =	vshll.u32 v5, $0x3  }
0x83: {  	v5 =	vand.u32 $0x1C00, v5;
	v52 =	vsub.s32 v4, v3;
	v4 =	vshll.u32 v4, $0x7  }
0x84: {  	v5 =	vor.u32 v5, v7;
	v54 =	vshll.u32 v52, $0xA;
	v4 =	vand.u32 $0x380, v4  }
0x85: {  	vm13 =	vlt.u32 v52, $0x28;
	v55 =	vand.u32 $0xFFFFE000, v54;
	v4 =	vor.u32 v4, v5  }
0x86: {  	v4 =	vor.u32 v55, v4;
	_ =	sdelay $0x4  }
0x87: {  	[tilespmem:v4+s4+$0x0] =	vst.idx.msk vm13, v2  }
0x88: {  	v4 =	vld [tilespmem:s24+$0x0];
	_ =	sdelay $0x1  }
0x89: {  	s30 =	sadd.s32 $0x20, s23  }
0x8a: {  	v57 =	vor.u32 s30, v1;
	v5 =	vmov s30  }
0x8b: {  	v7 =	vand.u32 $0x6F, v57;
	v5 =	vshll.u32 v5, $0x3  }
0x8c: {  	v5 =	vand.u32 $0x1C00, v5;
	v56 =	vsub.s32 v4, v3;
	v4 =	vshll.u32 v4, $0x7  }
0x8d: {  	v5 =	vor.u32 v5, v7;
	v58 =	vshll.u32 v56, $0xA;
	v4 =	vand.u32 $0x380, v4  }
0x8e: {  	vm14 =	vlt.u32 v56, $0x28;
	v59 =	vand.u32 $0xFFFFE000, v58;
	v4 =	vor.u32 v4, v5  }
0x8f: {  	v4 =	vor.u32 v59, v4;
	_ =	sdelay $0x4  }
0x90: {  	[tilespmem:v4+s4+$0x0] =	vst.idx.msk vm14, v2  }
0x91: {  	v4 =	vld [tilespmem:s24+$0x10];
	_ =	sdelay $0x1  }
0x92: {  	s31 =	sadd.s32 $0x30, s23  }
0x93: {  	v61 =	vor.u32 s31, v1;
	v5 =	vmov s31  }
0x94: {  	v7 =	vand.u32 $0x7F, v61;
	v5 =	vshll.u32 v5, $0x3  }
0x95: {  	v5 =	vand.u32 $0x1C00, v5;
	v60 =	vsub.s32 v4, v3;
	v4 =	vshll.u32 v4, $0x7  }
0x96: {  	v5 =	vor.u32 v5, v7;
	v62 =	vshll.u32 v60, $0xA;
	v4 =	vand.u32 $0x380, v4  }
0x97: {  	s22 =	sadd.s32 $0x4, s22;
	vm15 =	vlt.u32 v60, $0x28;
	v63 =	vand.u32 $0xFFFFE000, v62;
	v4 =	vor.u32 v4, v5  }
0x98: {  	p1 =	slt.u32 s22, $0x3C;
	v4 =	vor.u32 v63, v4  }
.Ltmp3:
0x99: {  	_ = 	snop;
	(pc) =	sbr.rel @p1 .LBB2_8-.Ltmp3, $2  }
0x9a: {  	_ =	sdelay $0x2  }
0x9b: {  	s23 =	sadd.s32 $0x40, s23;
	s24 =	sadd.s32 $0x40, s24;
	[tilespmem:v4+s4+$0x0] =	vst.idx.msk vm15, v2  }
0x9c: {  	s20 =	smul.u32 $0xFA000, s20  }
0x9d: {  	s21 =	smul.u32 $0xA000, s21  }
.Ltmp4:
0x9e: {  	_ = 	snop;
	(pc) =	sbr.rel @p0 .LBB2_12-.Ltmp4, $4  }
0x9f: {  	s20 =	sadd.s32 s21, s20  }
0xa0: {  	s20 =	sshrl.u32 s20, $0x3  }
0xa1: {  	s20 =	sadd.s32 s3, s20  }
0xa2: {  	[hbm4b:s20+s4] =	stream.linear.scatter [tilespmem:s4], [sflag:$0x1], $0xA000, $0x38;
	[tilespmem:$0x14400] =	vst v63  }
0xa3: {  	s18 =	sadd.s32 s7, s18  }
0xa4: {  	s20 =	smulhi.u32 $0x51EB851F, s18;
	_ =	sdelay $0x1  }
0xa5: {  	s21 =	sshll.u32 s20, $0x7;
	s22 =	sshll.u32 s20, $0x4  }
0xa6: {  	s20 =	sshrl.u32 s20, $0x3;
	s21 =	sand.u32 $0x7FFFE000, s21;
	s22 =	sand.u32 $0x380, s22  }
0xa7: {  	_ =	swait.ge [sflag:s15], $0xA000;
	s20 =	smul.u32 $0x19, s20;
	s21 =	sor.u32 s22, s21  }
0xa8: {  	[sflag:s15] =	ssyncset.done $0x0;
	s21 =	sshrl.u32 s21, $0x3  }
0xa9: {  	[sflag:s15] =	ssyncadd.s32 $0xFFFF6000;
	s18 =	ssub.s32 s18, s20;
	s21 =	sadd.s32 s1, s21  }
0xaa: {  	[tilespmem:s11], [sflag:$0x3] =	stream.strided.gather [hbm4b:s21+s9], $0x400, s10, s9, $0x38;
	[tilespmem:$0x14400] =	vst v63  }
0xab: {  	s18 =	smul.u32 $0x28, s18;
	_ =	swait.ge [sflag:s12], $0x400  }
0xac: {  	s20 =	simm.s32 $0x0;
	[sflag:s12] =	ssyncset.done $0x0  }
0xad: {  	s21 =	simm.s32 $0x14020;
	v3 =	vmov s18;
	s18 =	simm.s32 $0xFFFFFFFC;
	[sflag:s12] =	ssyncadd.s32 $0xFFFFFC00  }
.LBB2_11:
0xae: {  	v4 =	vld [tilespmem:s21+$0xFFFFFFE0];
	_ =	sdelay $0x2  }
0xaf: {  	v5 =	vmov s20;
	v7 =	vor.u32 s20, v1  }
0xb0: {  	v5 =	vshll.u32 v5, $0x3;
	v7 =	vand.u32 $0x4F, v7  }
0xb1: {  	v5 =	vand.u32 $0x1C00, v5;
	v6 =	vsub.s32 v4, v3;
	v4 =	vshll.u32 v4, $0x7  }
0xb2: {  	v5 =	vor.u32 v5, v7;
	v50 =	vshll.u32 v6, $0xA;
	v4 =	vand.u32 $0x380, v4  }
0xb3: {  	vm0 =	vlt.u32 v6, $0x28;
	v51 =	vand.u32 $0xFFFFE000, v50;
	v4 =	vor.u32 v4, v5  }
0xb4: {  	v4 =	vor.u32 v51, v4;
	_ =	sdelay $0x4  }
0xb5: {  	[tilespmem:v4+s13+$0x0] =	vst.idx.msk vm0, v0  }
0xb6: {  	v4 =	vld [tilespmem:s21+$0xFFFFFFF0];
	_ =	sdelay $0x1  }
0xb7: {  	s22 =	sadd.s32 $0x10, s20  }
0xb8: {  	v53 =	vor.u32 s22, v1;
	v5 =	vmov s22  }
0xb9: {  	v7 =	vand.u32 $0x5F, v53;
	v5 =	vshll.u32 v5, $0x3  }
0xba: {  	v5 =	vand.u32 $0x1C00, v5;
	v52 =	vsub.s32 v4, v3;
	v4 =	vshll.u32 v4, $0x7  }
0xbb: {  	v5 =	vor.u32 v5, v7;
	v54 =	vshll.u32 v52, $0xA;
	v4 =	vand.u32 $0x380, v4  }
0xbc: {  	vm13 =	vlt.u32 v52, $0x28;
	v55 =	vand.u32 $0xFFFFE000, v54;
	v4 =	vor.u32 v4, v5  }
0xbd: {  	v4 =	vor.u32 v55, v4;
	_ =	sdelay $0x4  }
0xbe: {  	[tilespmem:v4+s13+$0x0] =	vst.idx.msk vm13, v0  }
0xbf: {  	v4 =	vld [tilespmem:s21+$0x0];
	_ =	sdelay $0x1  }
0xc0: {  	s30 =	sadd.s32 $0x20, s20  }
0xc1: {  	v57 =	vor.u32 s30, v1;
	v5 =	vmov s30  }
0xc2: {  	v7 =	vand.u32 $0x6F, v57;
	v5 =	vshll.u32 v5, $0x3  }
0xc3: {  	v5 =	vand.u32 $0x1C00, v5;
	v56 =	vsub.s32 v4, v3;
	v4 =	vshll.u32 v4, $0x7  }
0xc4: {  	v5 =	vor.u32 v5, v7;
	v58 =	vshll.u32 v56, $0xA;
	v4 =	vand.u32 $0x380, v4  }
0xc5: {  	vm14 =	vlt.u32 v56, $0x28;
	v59 =	vand.u32 $0xFFFFE000, v58;
	v4 =	vor.u32 v4, v5  }
0xc6: {  	v4 =	vor.u32 v59, v4;
	_ =	sdelay $0x4  }
0xc7: {  	[tilespmem:v4+s13+$0x0] =	vst.idx.msk vm14, v0  }
0xc8: {  	v4 =	vld [tilespmem:s21+$0x10];
	_ =	sdelay $0x1  }
0xc9: {  	s31 =	sadd.s32 $0x30, s20  }
0xca: {  	v61 =	vor.u32 s31, v1;
	v5 =	vmov s31  }
0xcb: {  	v7 =	vand.u32 $0x7F, v61;
	v5 =	vshll.u32 v5, $0x3  }
0xcc: {  	v5 =	vand.u32 $0x1C00, v5;
	v60 =	vsub.s32 v4, v3;
	v4 =	vshll.u32 v4, $0x7  }
0xcd: {  	v5 =	vor.u32 v5, v7;
	v62 =	vshll.u32 v60, $0xA;
	v4 =	vand.u32 $0x380, v4  }
0xce: {  	s18 =	sadd.s32 $0x4, s18;
	vm15 =	vlt.u32 v60, $0x28;
	v63 =	vand.u32 $0xFFFFE000, v62;
	v4 =	vor.u32 v4, v5  }
0xcf: {  	p0 =	slt.u32 s18, $0x3C;
	v4 =	vor.u32 v63, v4  }
.Ltmp5:
0xd0: {  	_ = 	snop;
	(pc) =	sbr.rel @p0 .LBB2_11-.Ltmp5, $2  }
0xd1: {  	_ =	sdelay $0x2  }
0xd2: {  	s20 =	sadd.s32 $0x40, s20;
	s21 =	sadd.s32 $0x40, s21;
	[tilespmem:v4+s13+$0x0] =	vst.idx.msk vm15, v0  }
.LBB2_12:
0xd3: {  	s18 =	sor.u32 $0x20, s19  }
0xd4: {  	s19 =	smin.u32 s18, $0x4E1  }
0xd5: {  	s18 =	smulhi.u32 $0xA3D70A4, s19;
	_ =	sdelay $0x1  }
0xd6: {  	s20 =	sshll.u32 s18, $0x4  }
0xd7: {  	s21 =	sshll.u32 s18, $0x7;
	s22 =	smul.u32 $0x19, s18;
	s20 =	sand.u32 $0x70, s20  }
0xd8: {  	s21 =	sand.u32 $0x3C00, s21;
	s20 =	sadd.s32 s1, s20  }
0xd9: {  	s19 =	ssub.s32 s19, s22;
	s20 =	sadd.s32 s21, s20  }
0xda: {  	[tilespmem:s11], [sflag:$0x3] =	stream.strided.gather [hbm4b:s20+s9], $0x400, s10, s9, $0x38;
	[tilespmem:$0x14400] =	vst v63  }
0xdb: {  	s31 =	smul.u32 $0x28, s19;
	_ =	swait.ge [sflag:s12], $0x400  }
0xdc: {  	s22 =	simm.s32 $0x14020;
	[sflag:s12] =	ssyncset.done $0x0  }
0xdd: {  	s21 =	simm.s32 $0x0;
	s20 =	simm.s32 $0xFFFFFFFC;
	v3 =	vmov s31;
	[sflag:s12] =	ssyncadd.s32 $0xFFFFFC00  }
.LBB2_13:
0xde: {  	v4 =	vld [tilespmem:s22+$0xFFFFFFE0];
	_ =	sdelay $0x2  }
0xdf: {  	v5 =	vmov s21;
	v7 =	vor.u32 s21, v1  }
0xe0: {  	v5 =	vshll.u32 v5, $0x3;
	v7 =	vand.u32 $0x4F, v7  }
0xe1: {  	v5 =	vand.u32 $0x1C00, v5;
	v6 =	vsub.s32 v4, v3;
	v4 =	vshll.u32 v4, $0x7  }
0xe2: {  	v5 =	vor.u32 v5, v7;
	v50 =	vshll.u32 v6, $0xA;
	v4 =	vand.u32 $0x380, v4  }
0xe3: {  	vm0 =	vlt.u32 v6, $0x28;
	v51 =	vand.u32 $0xFFFFE000, v50;
	v4 =	vor.u32 v4, v5  }
0xe4: {  	v4 =	vor.u32 v51, v4;
	_ =	sdelay $0x4  }
0xe5: {  	[tilespmem:v4+s13+$0x0] =	vst.idx.msk vm0, v2  }
0xe6: {  	v4 =	vld [tilespmem:s22+$0xFFFFFFF0];
	_ =	sdelay $0x1  }
0xe7: {  	s23 =	sadd.s32 $0x10, s21  }
0xe8: {  	v53 =	vor.u32 s23, v1;
	v5 =	vmov s23  }
0xe9: {  	v7 =	vand.u32 $0x5F, v53;
	v5 =	vshll.u32 v5, $0x3  }
0xea: {  	v5 =	vand.u32 $0x1C00, v5;
	v52 =	vsub.s32 v4, v3;
	v4 =	vshll.u32 v4, $0x7  }
0xeb: {  	v5 =	vor.u32 v5, v7;
	v54 =	vshll.u32 v52, $0xA;
	v4 =	vand.u32 $0x380, v4  }
0xec: {  	vm13 =	vlt.u32 v52, $0x28;
	v55 =	vand.u32 $0xFFFFE000, v54;
	v4 =	vor.u32 v4, v5  }
0xed: {  	v4 =	vor.u32 v55, v4;
	_ =	sdelay $0x4  }
0xee: {  	[tilespmem:v4+s13+$0x0] =	vst.idx.msk vm13, v2  }
0xef: {  	v4 =	vld [tilespmem:s22+$0x0];
	_ =	sdelay $0x1  }
0xf0: {  	s30 =	sadd.s32 $0x20, s21  }
0xf1: {  	v57 =	vor.u32 s30, v1;
	v5 =	vmov s30  }
0xf2: {  	v7 =	vand.u32 $0x6F, v57;
	v5 =	vshll.u32 v5, $0x3  }
0xf3: {  	v5 =	vand.u32 $0x1C00, v5;
	v56 =	vsub.s32 v4, v3;
	v4 =	vshll.u32 v4, $0x7  }
0xf4: {  	v5 =	vor.u32 v5, v7;
	v58 =	vshll.u32 v56, $0xA;
	v4 =	vand.u32 $0x380, v4  }
0xf5: {  	vm14 =	vlt.u32 v56, $0x28;
	v59 =	vand.u32 $0xFFFFE000, v58;
	v4 =	vor.u32 v4, v5  }
0xf6: {  	v4 =	vor.u32 v59, v4;
	_ =	sdelay $0x4  }
0xf7: {  	[tilespmem:v4+s13+$0x0] =	vst.idx.msk vm14, v2  }
0xf8: {  	v4 =	vld [tilespmem:s22+$0x10];
	_ =	sdelay $0x1  }
0xf9: {  	s31 =	sadd.s32 $0x30, s21  }
0xfa: {  	v61 =	vor.u32 s31, v1;
	v5 =	vmov s31  }
0xfb: {  	v7 =	vand.u32 $0x7F, v61;
	v5 =	vshll.u32 v5, $0x3  }
0xfc: {  	v5 =	vand.u32 $0x1C00, v5;
	v60 =	vsub.s32 v4, v3;
	v4 =	vshll.u32 v4, $0x7  }
0xfd: {  	v5 =	vor.u32 v5, v7;
	v62 =	vshll.u32 v60, $0xA;
	v4 =	vand.u32 $0x380, v4  }
0xfe: {  	s20 =	sadd.s32 $0x4, s20;
	vm15 =	vlt.u32 v60, $0x28;
	v63 =	vand.u32 $0xFFFFE000, v62;
	v4 =	vor.u32 v4, v5  }
0xff: {  	p0 =	slt.u32 s20, $0x3C;
	v4 =	vor.u32 v63, v4  }
.Ltmp6:
0x100: {  	_ = 	snop;
	(pc) =	sbr.rel @p0 .LBB2_13-.Ltmp6, $2  }
0x101: {  	_ =	sdelay $0x2  }
0x102: {  	s21 =	sadd.s32 $0x40, s21;
	s22 =	sadd.s32 $0x40, s22;
	[tilespmem:v4+s13+$0x0] =	vst.idx.msk vm15, v2  }
0x103: {  	s18 =	smul.u32 $0xFA000, s18;
	s17 =	sadd.s32 $0x1, s17  }
0x104: {  	s19 =	smul.u32 $0xA000, s19;
	p0 =	sne.s32 s17, $0x14  }
.Ltmp7:
0x105: {  	_ = 	snop;
	(pc) =	sbr.rel @p0 .LBB2_4-.Ltmp7, $4  }
0x106: {  	s18 =	sadd.s32 s19, s18  }
0x107: {  	s18 =	sshrl.u32 s18, $0x3  }
0x108: {  	s18 =	sadd.s32 s3, s18  }
0x109: {  	[hbm4b:s18+s4] =	stream.linear.scatter [tilespmem:s13], [sflag:$0x2], $0xA000, $0x38;
	[tilespmem:$0x14400] =	vst v63  }
0x10a: {  	s16 =	sadd.s32 $0x1, s16  }
0x10b: {  	_ =	swait.ge [sflag:s14], $0xA000;
	p0 =	sne.s32 s16, s8  }
.Ltmp8:
0x10c: {  	[sflag:s14] =	ssyncset.done $0x0;
	(pc) =	sbr.rel @p0 .LBB2_1-.Ltmp8, $4  }
0x10d: {  	[sflag:s14] =	ssyncadd.s32 $0xFFFF6000  }
0x10e: {  	_ =	swait.ge [sflag:s15], $0xA000  }
0x10f: {  	[sflag:s15] =	ssyncset.done $0x0  }
0x110: {  	[sflag:s15] =	ssyncadd.s32 $0xFFFF6000  }
0x111: {  	_ =	sfence.sel $0x180000  }
0x112: {  	[bflag:$0x0] =	sbarrier.arrive $0xFFFF  }
0x113: {  	p0 =	sne.s32 s2, $0x0;
	_ =	strace $0x90000047  }
0x114: {  	s0 =	sadd.s32 @!p0 $0x100000, s0;
	[bflag:$0x2] =	sbarrier.arrive $0xFFFF  }
0x115: {  	[sflag:s0] =	ssyncadd.tile.s32 @!p0 $0x1;
	_ =	shalt  }
.Lfunc_end2:
_tile_overlayer_lowered:
.L_overlay_start_2:
0x116: {  	(tag) =	ssettag $0x2  }
0x117: {  	s0 =	rddreg [dreg:$0x0];
	s2 =	stileid.u32  }
0x118: {  	s1 =	rddreg [dreg:$0x1];
	p0 =	sne.s32 s2, $0x0  }
0x119: {  	s3 =	rddreg [dreg:$0x2];
	[bflag:$0x3] =	sbarrier.arrive $0xFFFF;
	s2 =	simm.s32 @!p0 $0x1C03  }
0x11a: {  	[timem:s3], [sflag:s2] =	dma.local @!p0 [hbm:s0], s1  }
0x11b: {  	s0 =	simm.s32 @!p0 $0x3  }
0x11c: {  	_ =	swait.ge @!p0 [sflag:s0], s1  }
0x11d: {  	s1 =	ssub.s32 @!p0 $0x0, s1;
	[sflag:s0] =	ssyncset.done @!p0 $0x0  }
0x11e: {  	[sflag:s0] =	ssyncadd.s32 @!p0 s1  }
0x11f: {  	[bflag:$0x3] =	sbarrier.arrive $0xFFFF  }
0x120: {  	_ =	shalt  }

</sc_bundles>
